<compile_context>
chip_gen: v7x
topology: tpu7x:2x2x1
jax: 0.10.2.dev20260603
libtpu: 0.0.44.dev20260713+nightly
codegen_flags: <defaults>
</compile_context>

<pallas_src>
import functools

import jax
import jax.numpy as jnp
from jax import lax
from jax.experimental import pallas as pl
from jax.experimental.pallas import tpu as pltpu
from jax.experimental.pallas import tpu_sc as plsc

N = 10000
E = 320000
D = 128
BE = 2000
BN = 2000

NC = 2
NS = 16
NW = NC * NS
EW = E // NW
CK = 80
NCH = EW // CK
NR = N // NS
NZ = N // 10

_sc_mesh = plsc.VectorSubcoreMesh(core_axis_name="c", subcore_axis_name="s")
_sc_params = pltpu.CompilerParams(use_tc_tiling_on_sc=False, needs_layout_passes=False)



@functools.partial(
    pl.kernel,
    out_type=(
        jax.ShapeDtypeStruct((E, D), jnp.float32),
        jax.ShapeDtypeStruct((E, D), jnp.float32),
        jax.ShapeDtypeStruct((E,), jnp.float32),
        jax.ShapeDtypeStruct((E,), jnp.float32),
        jax.ShapeDtypeStruct((E,), jnp.float32),
    ),
    mesh=_sc_mesh,
    scratch_types=[
        pltpu.VMEM((CK,), jnp.int32),
        pltpu.VMEM((CK,), jnp.int32),
        pltpu.VMEM((CK, D), jnp.float32),
        pltpu.VMEM((CK, D), jnp.float32),
        pltpu.VMEM((N,), jnp.float32),
        pltpu.VMEM((N,), jnp.float32),
        pltpu.VMEM((N,), jnp.float32),
        pltpu.VMEM((CK,), jnp.float32),
        pltpu.VMEM((CK,), jnp.float32),
        pltpu.VMEM((CK,), jnp.float32),
        pltpu.SemaphoreType.DMA,
        pltpu.SemaphoreType.DMA,
        pltpu.SemaphoreType.DMA,
    ],
    compiler_params=_sc_params,
)
def _sc_gather(x_hbm, px_hbm, py_hbm, pz_hbm, ei_hbm, ej_hbm,
               xi_hbm, xj_hbm, dx_hbm, dy_hbm, dz_hbm,
               idxi, idxj, bi, bj, pxv, pyv, pzv, dbx, dby, dbz,
               sem0, sem1, sem2):
    pltpu.sync_copy(px_hbm, pxv)
    pltpu.sync_copy(py_hbm, pyv)
    pltpu.sync_copy(pz_hbm, pzv)
    wid = lax.axis_index("s") * NC + lax.axis_index("c")

    def body(i, carry):
        base = wid * EW + i * CK
        pltpu.sync_copy(ei_hbm.at[pl.ds(base, CK)], idxi)
        pltpu.sync_copy(ej_hbm.at[pl.ds(base, CK)], idxj)
        cpi = pltpu.async_copy(x_hbm.at[idxi], bi, sem0)
        cpj = pltpu.async_copy(x_hbm.at[idxj], bj, sem1)
        for k in range(CK // 16):
            sl = pl.ds(k * 16, 16)
            ii = idxi[sl]
            ij = idxj[sl]
            dbx[sl] = plsc.load_gather(pxv, [ij]) - plsc.load_gather(pxv, [ii])
            dby[sl] = plsc.load_gather(pyv, [ij]) - plsc.load_gather(pyv, [ii])
            dbz[sl] = plsc.load_gather(pzv, [ij]) - plsc.load_gather(pzv, [ii])
        cpi.wait()
        cpj.wait()
        pltpu.sync_copy(bi, xi_hbm.at[pl.ds(base, CK)])
        pltpu.sync_copy(bj, xj_hbm.at[pl.ds(base, CK)])
        w0 = pltpu.async_copy(dbx, dx_hbm.at[pl.ds(base, CK)], sem0)
        w1 = pltpu.async_copy(dby, dy_hbm.at[pl.ds(base, CK)], sem1)
        w2 = pltpu.async_copy(dbz, dz_hbm.at[pl.ds(base, CK)], sem2)
        w0.wait()
        w1.wait()
        w2.wait()
        return carry

    lax.fori_loop(0, NCH, body, 0)



def _edge_mlp_body(xi, xj, dx, dy, dz, w1a, w1b, w1d, b1, w2, b2,
                   msg_out, pw_out):
    dxv = dx[...]
    dyv = dy[...]
    dzv = dz[...]
    dist = jnp.sqrt(dxv * dxv + dyv * dyv + dzv * dzv + 1e-12)
    h = jnp.dot(xi[...], w1a[...], preferred_element_type=jnp.float32)
    h += jnp.dot(xj[...], w1b[...], preferred_element_type=jnp.float32)
    h += dist * w1d[...] + b1[...]
    h = jnp.maximum(h, 0.0)
    msg = jnp.dot(h, w2[...], preferred_element_type=jnp.float32) + b2[...]
    msg_out[...] = msg
    pw_out[...] = jnp.tanh(jnp.sqrt(jnp.sum(msg * msg, axis=1, keepdims=True) + 1e-12))


def _edge_mlp(xi, xj, dx, dy, dz, w1a, w1b, w1d, b1, w2, b2):
    full = lambda s: pl.BlockSpec(s, lambda i: (0, 0))
    col = pl.BlockSpec((BE, 1), lambda i: (i, 0))
    return pl.pallas_call(
        _edge_mlp_body,
        grid=(E // BE,),
        in_specs=[
            pl.BlockSpec((BE, D), lambda i: (i, 0)),
            pl.BlockSpec((BE, D), lambda i: (i, 0)),
            col, col, col,
            full((D, 2 * D)),
            full((D, 2 * D)),
            full((1, 2 * D)),
            full((1, 2 * D)),
            full((2 * D, D)),
            full((1, D)),
        ],
        out_specs=[pl.BlockSpec((BE, D), lambda i: (i, 0)), col],
        out_shape=[
            jax.ShapeDtypeStruct((E, D), jnp.float32),
            jax.ShapeDtypeStruct((E, 1), jnp.float32),
        ],
    )(xi, xj, dx.reshape(E, 1), dy.reshape(E, 1), dz.reshape(E, 1),
      w1a, w1b, w1d, b1, w2, b2)



@functools.partial(
    pl.kernel,
    out_type=(
        jax.ShapeDtypeStruct((2 * N, D), jnp.float32),
        jax.ShapeDtypeStruct((2 * N,), jnp.float32),
        jax.ShapeDtypeStruct((2 * N,), jnp.float32),
        jax.ShapeDtypeStruct((2 * N,), jnp.float32),
        jax.ShapeDtypeStruct((2 * N,), jnp.float32),
    ),
    mesh=_sc_mesh,
    scratch_types=[
        pltpu.VMEM((CK,), jnp.int32),
        pltpu.VMEM((CK, D), jnp.float32),
        pltpu.VMEM((CK,), jnp.float32),
        pltpu.VMEM((CK,), jnp.float32),
        pltpu.VMEM((CK,), jnp.float32),
        pltpu.VMEM((CK,), jnp.float32),
        pltpu.VMEM((NZ,), jnp.float32),
        pltpu.VMEM_SHARED((N, D), jnp.float32),
        pltpu.VMEM_SHARED((N,), jnp.float32),
        pltpu.VMEM_SHARED((N,), jnp.float32),
        pltpu.VMEM_SHARED((N,), jnp.float32),
        pltpu.VMEM_SHARED((N,), jnp.float32),
        pltpu.SemaphoreType.DMA,
        pltpu.SemaphoreType.DMA,
        pltpu.SemaphoreType.DMA,
        pltpu.SemaphoreType.DMA,
    ],
    compiler_params=_sc_params,
)
def _sc_scatter(msg_hbm, ex_hbm, ey_hbm, ez_hbm, ei_hbm, zm_hbm,
                aggm_hbm, sx_hbm, sy_hbm, sz_hbm, cnt_hbm,
                idx, bm, bx, by, bz, ones, zb,
                accm, accx, accy, accz, accc,
                sem0, sem1, sem2, sem3):
    c = lax.axis_index("c")
    s = lax.axis_index("s")
    wid = s * NC + c
    rows = pl.ds(s * NR, NR)
    pltpu.sync_copy(zm_hbm.at[rows], accm.at[rows])
    for k in range(NZ // 16):
        zb[pl.ds(k * 16, 16)] = jnp.zeros((16,), jnp.float32)
    for k in range(CK // 16):
        ones[pl.ds(k * 16, 16)] = jnp.ones((16,), jnp.float32)

    @pl.when(s < 10)
    def _():
        zrows = pl.ds(s * NZ, NZ)
        pltpu.sync_copy(zb, accx.at[zrows])
        pltpu.sync_copy(zb, accy.at[zrows])
        pltpu.sync_copy(zb, accz.at[zrows])
        pltpu.sync_copy(zb, accc.at[zrows])

    plsc.subcore_barrier()

    def body(i, carry):
        base = pl.ds(wid * EW + i * CK, CK)
        pltpu.sync_copy(ei_hbm.at[base], idx)
        cm = pltpu.async_copy(msg_hbm.at[base], bm, sem0)
        cx = pltpu.async_copy(ex_hbm.at[base], bx, sem1)
        cy = pltpu.async_copy(ey_hbm.at[base], by, sem2)
        cz = pltpu.async_copy(ez_hbm.at[base], bz, sem3)
        cm.wait()
        cx.wait()
        cy.wait()
        cz.wait()
        pltpu.sync_copy(bm, accm.at[idx], add=True)
        pltpu.sync_copy(bx, accx.at[idx], add=True)
        pltpu.sync_copy(by, accy.at[idx], add=True)
        pltpu.sync_copy(bz, accz.at[idx], add=True)
        pltpu.sync_copy(ones, accc.at[idx], add=True)
        return carry

    lax.fori_loop(0, NCH, body, 0)
    plsc.subcore_barrier()
    pltpu.sync_copy(accm.at[rows], aggm_hbm.at[pl.ds(c * N + s * NR, NR)])

    @pl.when(s < 10)
    def _():
        zrows = pl.ds(s * NZ, NZ)
        orows = pl.ds(c * N + s * NZ, NZ)
        pltpu.sync_copy(accx.at[zrows], sx_hbm.at[orows])
        pltpu.sync_copy(accy.at[zrows], sy_hbm.at[orows])
        pltpu.sync_copy(accz.at[zrows], sz_hbm.at[orows])
        pltpu.sync_copy(accc.at[zrows], cnt_hbm.at[orows])



def _node_update_body(x, pos, m, px_, py_, pz_, pc_,
                      w3a, w3b, b3, w4, b4, xout, posout):
    u = jnp.dot(x[...], w3a[...], preferred_element_type=jnp.float32)
    u += jnp.dot(m[...], w3b[...], preferred_element_type=jnp.float32)
    u += b3[...]
    u = jnp.maximum(u, 0.0)
    u = jnp.dot(u, w4[...], preferred_element_type=jnp.float32) + b4[...]
    z = x[...] + u
    xout[...] = jnp.where(z > 0, z, jnp.exp(jnp.minimum(z, 0.0)) - 1.0)
    cnt = jnp.maximum(pc_[...], 1.0)
    psum = jnp.concatenate([px_[...], py_[...], pz_[...]], axis=1)
    posout[...] = pos[...] + psum / cnt


def _node_update(x, pos, agg, sx, sy, sz, cnt, w3a, w3b, b3, w4, b4):
    full = lambda s: pl.BlockSpec(s, lambda i: (0, 0))
    nb = N // BN
    col = pl.BlockSpec((BN, 1), lambda i: (i, 0))
    return pl.pallas_call(
        _node_update_body,
        grid=(nb,),
        in_specs=[
            pl.BlockSpec((BN, D), lambda i: (i, 0)),
            pl.BlockSpec((BN, 3), lambda i: (i, 0)),
            pl.BlockSpec((BN, D), lambda i: (i, 0)),
            col, col, col, col,
            full((D, 2 * D)),
            full((D, 2 * D)),
            full((1, 2 * D)),
            full((2 * D, D)),
            full((1, D)),
        ],
        out_specs=[
            pl.BlockSpec((BN, D), lambda i: (i, 0)),
            pl.BlockSpec((BN, 3), lambda i: (i, 0)),
        ],
        out_shape=[
            jax.ShapeDtypeStruct((N, D), jnp.float32),
            jax.ShapeDtypeStruct((N, 3), jnp.float32),
        ],
    )(x, pos, agg, sx, sy, sz, cnt, w3a, w3b, b3, w4, b4)


def kernel(x, pos, edge_index, W1, b1, W2, b2, W3, b3, W4, b4):
    ei = edge_index[0]
    ej = edge_index[1]
    pos_ij = pos[ej] - pos[ei]
    msg, pw = _edge_mlp(
        x[ei], x[ej], pos_ij[:, 0], pos_ij[:, 1], pos_ij[:, 2],
        W1[:D], W1[D:2 * D], W1[2 * D:], b1[None, :], W2, b2[None, :],
    )
    epu = pw * pos_ij
    msg_l = (msg + 1.0) - 1.0
    zm = jnp.zeros((N, D), jnp.float32)
    agg2n, sx2, sy2, sz2, cnt2 = _sc_scatter(
        msg_l, epu[:, 0], epu[:, 1], epu[:, 2], ei, zm)
    agg = agg2n[:N] + agg2n[N:]
    comb = lambda v: (v[:N] + v[N:]).reshape(N, 1)
    x_out, pos_out = _node_update(
        x, pos, agg, comb(sx2), comb(sy2), comb(sz2), comb(cnt2),
        W3[:D], W3[D:], b3[None, :], W4, b4[None, :],
    )
    return (x_out, pos_out)

# --- scband reference (transcript-rebuilt; emitter-appended) ---
"""Pipeline reference for scband-egnnlayer-29008209118006 (READ-ONLY COPY).

The authoritative reference and input builder live on the scoring server;
editing this copy changes nothing except your own understanding.
"""

import jax, jax.numpy as jnp
import numpy as np

N = 10000
E = 320000
D_IN = 128
D_OUT = 128


def setup_inputs(seed: int = 0) -> dict:
    key = jax.random.key(seed)
    ks = jax.random.split(key, 12)
    x = jax.random.normal(ks[0], (N, D_IN), dtype=jnp.float32)
    pos = jax.random.normal(ks[1], (N, 3), dtype=jnp.float32)
    edge_index = jax.random.randint(ks[2], (2, E), 0, N, dtype=jnp.int32)
    # msg_mlp: Linear(2*D_IN+1 -> 2*D_OUT), ReLU, Dropout(eval=identity), Linear(2*D_OUT -> D_OUT)
    W1 = jax.random.normal(ks[3], (2 * D_IN + 1, 2 * D_OUT), dtype=jnp.float32) * (1.0 / np.sqrt(2 * D_IN + 1))
    b1 = jnp.zeros((2 * D_OUT,), dtype=jnp.float32)
    W2 = jax.random.normal(ks[4], (2 * D_OUT, D_OUT), dtype=jnp.float32) * (1.0 / np.sqrt(2 * D_OUT))
    b2 = jnp.zeros((D_OUT,), dtype=jnp.float32)
    # update_mlp: Linear(2*D_OUT -> 2*D_OUT), ReLU, Dropout(eval=identity), Linear(2*D_OUT -> D_OUT)
    W3 = jax.random.normal(ks[5], (2 * D_OUT, 2 * D_OUT), dtype=jnp.float32) * (1.0 / np.sqrt(2 * D_OUT))
    b3 = jnp.zeros((2 * D_OUT,), dtype=jnp.float32)
    W4 = jax.random.normal(ks[6], (2 * D_OUT, D_OUT), dtype=jnp.float32) * (1.0 / np.sqrt(2 * D_OUT))
    b4 = jnp.zeros((D_OUT,), dtype=jnp.float32)
    # projection is nn.Identity() since in_dim == out_dim
    return {"x": x, "pos": pos, "edge_index": edge_index,
            "W1": W1, "b1": b1, "W2": W2, "b2": b2,
            "W3": W3, "b3": b3, "W4": W4, "b4": b4}


def reference(x, pos, edge_index, W1, b1, W2, b2, W3, b3, W4, b4):
    edge_i = edge_index[0]
    edge_j = edge_index[1]
    # indices are generated in-range, so the torch validity-mask branch is a no-op
    pos_ij = pos[edge_j] - pos[edge_i]
    dist_ij = jnp.sqrt(jnp.sum(pos_ij * pos_ij, axis=1, keepdims=True) + 1e-12)
    x_i = x[edge_i]
    x_j = x[edge_j]
    msg_input = jnp.concatenate([x_i, x_j, dist_ij], axis=1)
    h = jax.nn.relu(msg_input @ W1 + b1)
    msg = h @ W2 + b2
    agg_msg = jax.ops.segment_sum(msg, edge_i, num_segments=N)
    x_proj = x  # Identity projection (in_dim == out_dim)
    update_input = jnp.concatenate([x_proj, agg_msg], axis=1)
    u = jax.nn.relu(update_input @ W3 + b3) @ W4 + b4
    x_out = jax.nn.elu(x_proj + u)
    pos_weight = jnp.tanh(jnp.sqrt(jnp.sum(msg * msg, axis=1, keepdims=True) + 1e-12))
    edge_pos_update = pos_weight * pos_ij
    pos_update_sum = jax.ops.segment_sum(edge_pos_update, edge_i, num_segments=N)
    neighbor_counts = jax.ops.segment_sum(jnp.ones((E,), dtype=jnp.float32), edge_i, num_segments=N)
    neighbor_counts = jnp.maximum(neighbor_counts, 1.0)[:, None]
    pos_out = pos + pos_update_sum / neighbor_counts
    return (x_out, pos_out)

if __name__ == "__main__":
    import jax
    _d = setup_inputs()
    print(jax.jit(kernel)(*tuple(_d.values())))

</pallas_src>

<mosaic_0001>
#map = affine_map<(d0, d1) -> (0, 0)>
#map1 = affine_map<(d0, d1) -> (0)>
module attributes {stable_mosaic.version = 14 : i64} {
  func.func @_sc_scatter(%arg0: i32, %arg1: i32, %arg2: memref<320000x128xf32, #tpu.memory_space<hbm>>, %arg3: memref<320000xf32, #tpu.memory_space<hbm>>, %arg4: memref<320000xf32, #tpu.memory_space<hbm>>, %arg5: memref<320000xf32, #tpu.memory_space<hbm>>, %arg6: memref<320000xi32, #tpu.memory_space<hbm>>, %arg7: memref<10000x128xf32, #tpu.memory_space<hbm>>, %arg8: memref<20000x128xf32, #tpu.memory_space<hbm>>, %arg9: memref<20000xf32, #tpu.memory_space<hbm>>, %arg10: memref<20000xf32, #tpu.memory_space<hbm>>, %arg11: memref<20000xf32, #tpu.memory_space<hbm>>, %arg12: memref<20000xf32, #tpu.memory_space<hbm>>, %arg13: memref<80xi32, #tpu.memory_space<vmem>>, %arg14: memref<80x128xf32, #tpu.memory_space<vmem>>, %arg15: memref<80xf32, #tpu.memory_space<vmem>>, %arg16: memref<80xf32, #tpu.memory_space<vmem>>, %arg17: memref<80xf32, #tpu.memory_space<vmem>>, %arg18: memref<80xf32, #tpu.memory_space<vmem>>, %arg19: memref<1000xf32, #tpu.memory_space<vmem>>, %arg20: memref<10000x128xf32, #tpu.memory_space<vmem_shared>>, %arg21: memref<10000xf32, #tpu.memory_space<vmem_shared>>, %arg22: memref<10000xf32, #tpu.memory_space<vmem_shared>>, %arg23: memref<10000xf32, #tpu.memory_space<vmem_shared>>, %arg24: memref<10000xf32, #tpu.memory_space<vmem_shared>>, %arg25: memref<!tpu.dma_semaphore, #tpu.memory_space<semaphore_mem>>, %arg26: memref<!tpu.dma_semaphore, #tpu.memory_space<semaphore_mem>>, %arg27: memref<!tpu.dma_semaphore, #tpu.memory_space<semaphore_mem>>, %arg28: memref<!tpu.dma_semaphore, #tpu.memory_space<semaphore_mem>>) attributes {dimension_semantics = [#tpu.dimension_semantics<core_parallel>, #tpu.dimension_semantics<subcore_parallel>], iteration_bounds = array<i64: 2, 16>, scalar_prefetch = 0 : i64, scratch_operands = 16 : i64, tpu.core_type = #tpu.core_type<sc_vector_subcore>, window_params = [{transform_indices = #map}, {transform_indices = #map1}, {transform_indices = #map1}, {transform_indices = #map1}, {transform_indices = #map1}, {transform_indices = #map}, {transform_indices = #map}, {transform_indices = #map1}, {transform_indices = #map1}, {transform_indices = #map1}, {transform_indices = #map1}]} {
    %mul3A = arith.constant 2 : i32
    %mul3A_0 = arith.muli %arg1, %mul3A : i32
    %add3A = arith.addi %mul3A_0, %arg0 : i32
    %mul3A_1 = arith.constant 625 : i32
    %mul3A_2 = arith.muli %arg1, %mul3A_1 : i32
    "tpu.region"() ({
      %run_scoped3A = tpu.sem_alloc : memref<!tpu.dma_semaphore, #tpu.memory_space<semaphore_mem>>
      %dma_start3A = arith.constant 0 : i32
      %dma_start3A_287 = tpu.memref_slice %arg20[%mul3A_2, %dma_start3A] : memref<10000x128xf32, #tpu.memory_space<vmem_shared>> -> memref<625x128xf32, #tpu.memory_space<vmem_shared>>
      %dma_start3A_288 = arith.constant 0 : i32
      %dma_start3A_289 = tpu.memref_slice %arg7[%mul3A_2, %dma_start3A_288] : memref<10000x128xf32, #tpu.memory_space<hbm>> -> memref<625x128xf32, #tpu.memory_space<hbm>>
      tpu.enqueue_dma source(%dma_start3A_289 : memref<625x128xf32, #tpu.memory_space<hbm>>) target(%dma_start3A_287 : memref<625x128xf32, #tpu.memory_space<vmem_shared>>) target_semaphore(%run_scoped3A : memref<!tpu.dma_semaphore, #tpu.memory_space<semaphore_mem>>)
      %dma_wait3A = arith.constant 0 : i32
      %dma_wait3A_290 = tpu.memref_slice %arg20[%mul3A_2, %dma_wait3A] : memref<10000x128xf32, #tpu.memory_space<vmem_shared>> -> memref<625x128xf32, #tpu.memory_space<vmem_shared>>
      %dma_wait3A_291 = arith.constant 0 : i32
      %dma_wait3A_292 = tpu.memref_slice %arg7[%mul3A_2, %dma_wait3A_291] : memref<10000x128xf32, #tpu.memory_space<hbm>> -> memref<625x128xf32, #tpu.memory_space<hbm>>
      tpu.wait_dma2 semaphore(%run_scoped3A : memref<!tpu.dma_semaphore, #tpu.memory_space<semaphore_mem>>) src(%dma_wait3A_292 : memref<625x128xf32, #tpu.memory_space<hbm>>) dst(%dma_wait3A_290 : memref<625x128xf32, #tpu.memory_space<vmem_shared>>)
      tpu.yield
    }) : () -> ()
    %broadcast_in_dim3A = arith.constant 0.000000e+00 : f32
    %broadcast_in_dim3A_3 = vector.broadcast %broadcast_in_dim3A : f32 to vector<16xf32>
    %swap3A = arith.constant 0 : index
    %swap3A_4 = tpu.vector_load %arg19[%swap3A] {strides = array<i32>} : memref<1000xf32, #tpu.memory_space<vmem>>, vector<16xf32>,
    tpu.vector_store %arg19[%swap3A], %broadcast_in_dim3A_3 {strides = array<i32>} : memref<1000xf32, #tpu.memory_space<vmem>>, vector<16xf32>,
    %broadcast_in_dim3A_5 = arith.constant 0.000000e+00 : f32
    %broadcast_in_dim3A_6 = vector.broadcast %broadcast_in_dim3A_5 : f32 to vector<16xf32>
    %swap3A_7 = arith.constant 16 : index
    %swap3A_8 = tpu.vector_load %arg19[%swap3A_7] {strides = array<i32>} : memref<1000xf32, #tpu.memory_space<vmem>>, vector<16xf32>,
    tpu.vector_store %arg19[%swap3A_7], %broadcast_in_dim3A_6 {strides = array<i32>} : memref<1000xf32, #tpu.memory_space<vmem>>, vector<16xf32>,
    %broadcast_in_dim3A_9 = arith.constant 0.000000e+00 : f32
    %broadcast_in_dim3A_10 = vector.broadcast %broadcast_in_dim3A_9 : f32 to vector<16xf32>
    %swap3A_11 = arith.constant 32 : index
    %swap3A_12 = tpu.vector_load %arg19[%swap3A_11] {strides = array<i32>} : memref<1000xf32, #tpu.memory_space<vmem>>, vector<16xf32>,
    tpu.vector_store %arg19[%swap3A_11], %broadcast_in_dim3A_10 {strides = array<i32>} : memref<1000xf32, #tpu.memory_space<vmem>>, vector<16xf32>,
    %broadcast_in_dim3A_13 = arith.constant 0.000000e+00 : f32
    %broadcast_in_dim3A_14 = vector.broadcast %broadcast_in_dim3A_13 : f32 to vector<16xf32>
    %swap3A_15 = arith.constant 48 : index
    %swap3A_16 = tpu.vector_load %arg19[%swap3A_15] {strides = array<i32>} : memref<1000xf32, #tpu.memory_space<vmem>>, vector<16xf32>,
    tpu.vector_store %arg19[%swap3A_15], %broadcast_in_dim3A_14 {strides = array<i32>} : memref<1000xf32, #tpu.memory_space<vmem>>, vector<16xf32>,
    %broadcast_in_dim3A_17 = arith.constant 0.000000e+00 : f32
    %broadcast_in_dim3A_18 = vector.broadcast %broadcast_in_dim3A_17 : f32 to vector<16xf32>
    %swap3A_19 = arith.constant 64 : index
    %swap3A_20 = tpu.vector_load %arg19[%swap3A_19] {strides = array<i32>} : memref<1000xf32, #tpu.memory_space<vmem>>, vector<16xf32>,
    tpu.vector_store %arg19[%swap3A_19], %broadcast_in_dim3A_18 {strides = array<i32>} : memref<1000xf32, #tpu.memory_space<vmem>>, vector<16xf32>,
    %broadcast_in_dim3A_21 = arith.constant 0.000000e+00 : f32
    %broadcast_in_dim3A_22 = vector.broadcast %broadcast_in_dim3A_21 : f32 to vector<16xf32>
    %swap3A_23 = arith.constant 80 : index
    %swap3A_24 = tpu.vector_load %arg19[%swap3A_23] {strides = array<i32>} : memref<1000xf32, #tpu.memory_space<vmem>>, vector<16xf32>,
    tpu.vector_store %arg19[%swap3A_23], %broadcast_in_dim3A_22 {strides = array<i32>} : memref<1000xf32, #tpu.memory_space<vmem>>, vector<16xf32>,
    %broadcast_in_dim3A_25 = arith.constant 0.000000e+00 : f32
    %broadcast_in_dim3A_26 = vector.broadcast %broadcast_in_dim3A_25 : f32 to vector<16xf32>
    %swap3A_27 = arith.constant 96 : index
    %swap3A_28 = tpu.vector_load %arg19[%swap3A_27] {strides = array<i32>} : memref<1000xf32, #tpu.memory_space<vmem>>, vector<16xf32>,
    tpu.vector_store %arg19[%swap3A_27], %broadcast_in_dim3A_26 {strides = array<i32>} : memref<1000xf32, #tpu.memory_space<vmem>>, vector<16xf32>,
    %broadcast_in_dim3A_29 = arith.constant 0.000000e+00 : f32
    %broadcast_in_dim3A_30 = vector.broadcast %broadcast_in_dim3A_29 : f32 to vector<16xf32>
    %swap3A_31 = arith.constant 112 : index
    %swap3A_32 = tpu.vector_load %arg19[%swap3A_31] {strides = array<i32>} : memref<1000xf32, #tpu.memory_space<vmem>>, vector<16xf32>,
    tpu.vector_store %arg19[%swap3A_31], %broadcast_in_dim3A_30 {strides = array<i32>} : memref<1000xf32, #tpu.memory_space<vmem>>, vector<16xf32>,
    %broadcast_in_dim3A_33 = arith.constant 0.000000e+00 : f32
    %broadcast_in_dim3A_34 = vector.broadcast %broadcast_in_dim3A_33 : f32 to vector<16xf32>
    %swap3A_35 = arith.constant 128 : index
    %swap3A_36 = tpu.vector_load %arg19[%swap3A_35] {strides = array<i32>} : memref<1000xf32, #tpu.memory_space<vmem>>, vector<16xf32>,
    tpu.vector_store %arg19[%swap3A_35], %broadcast_in_dim3A_34 {strides = array<i32>} : memref<1000xf32, #tpu.memory_space<vmem>>, vector<16xf32>,
    %broadcast_in_dim3A_37 = arith.constant 0.000000e+00 : f32
    %broadcast_in_dim3A_38 = vector.broadcast %broadcast_in_dim3A_37 : f32 to vector<16xf32>
    %swap3A_39 = arith.constant 144 : index
    %swap3A_40 = tpu.vector_load %arg19[%swap3A_39] {strides = array<i32>} : memref<1000xf32, #tpu.memory_space<vmem>>, vector<16xf32>,
    tpu.vector_store %arg19[%swap3A_39], %broadcast_in_dim3A_38 {strides = array<i32>} : memref<1000xf32, #tpu.memory_space<vmem>>, vector<16xf32>,
    %broadcast_in_dim3A_41 = arith.constant 0.000000e+00 : f32
    %broadcast_in_dim3A_42 = vector.broadcast %broadcast_in_dim3A_41 : f32 to vector<16xf32>
    %swap3A_43 = arith.constant 160 : index
    %swap3A_44 = tpu.vector_load %arg19[%swap3A_43] {strides = array<i32>} : memref<1000xf32, #tpu.memory_space<vmem>>, vector<16xf32>,
    tpu.vector_store %arg19[%swap3A_43], %broadcast_in_dim3A_42 {strides = array<i32>} : memref<1000xf32, #tpu.memory_space<vmem>>, vector<16xf32>,
    %broadcast_in_dim3A_45 = arith.constant 0.000000e+00 : f32
    %broadcast_in_dim3A_46 = vector.broadcast %broadcast_in_dim3A_45 : f32 to vector<16xf32>
    %swap3A_47 = arith.constant 176 : index
    %swap3A_48 = tpu.vector_load %arg19[%swap3A_47] {strides = array<i32>} : memref<1000xf32, #tpu.memory_space<vmem>>, vector<16xf32>,
    tpu.vector_store %arg19[%swap3A_47], %broadcast_in_dim3A_46 {strides = array<i32>} : memref<1000xf32, #tpu.memory_space<vmem>>, vector<16xf32>,
    %broadcast_in_dim3A_49 = arith.constant 0.000000e+00 : f32
    %broadcast_in_dim3A_50 = vector.broadcast %broadcast_in_dim3A_49 : f32 to vector<16xf32>
    %swap3A_51 = arith.constant 192 : index
    %swap3A_52 = tpu.vector_load %arg19[%swap3A_51] {strides = array<i32>} : memref<1000xf32, #tpu.memory_space<vmem>>, vector<16xf32>,
    tpu.vector_store %arg19[%swap3A_51], %broadcast_in_dim3A_50 {strides = array<i32>} : memref<1000xf32, #tpu.memory_space<vmem>>, vector<16xf32>,
    %broadcast_in_dim3A_53 = arith.constant 0.000000e+00 : f32
    %broadcast_in_dim3A_54 = vector.broadcast %broadcast_in_dim3A_53 : f32 to vector<16xf32>
    %swap3A_55 = arith.constant 208 : index
    %swap3A_56 = tpu.vector_load %arg19[%swap3A_55] {strides = array<i32>} : memref<1000xf32, #tpu.memory_space<vmem>>, vector<16xf32>,
    tpu.vector_store %arg19[%swap3A_55], %broadcast_in_dim3A_54 {strides = array<i32>} : memref<1000xf32, #tpu.memory_space<vmem>>, vector<16xf32>,
    %broadcast_in_dim3A_57 = arith.constant 0.000000e+00 : f32
    %broadcast_in_dim3A_58 = vector.broadcast %broadcast_in_dim3A_57 : f32 to vector<16xf32>
    %swap3A_59 = arith.constant 224 : index
    %swap3A_60 = tpu.vector_load %arg19[%swap3A_59] {strides = array<i32>} : memref<1000xf32, #tpu.memory_space<vmem>>, vector<16xf32>,
    tpu.vector_store %arg19[%swap3A_59], %broadcast_in_dim3A_58 {strides = array<i32>} : memref<1000xf32, #tpu.memory_space<vmem>>, vector<16xf32>,
    %broadcast_in_dim3A_61 = arith.constant 0.000000e+00 : f32
    %broadcast_in_dim3A_62 = vector.broadcast %broadcast_in_dim3A_61 : f32 to vector<16xf32>
    %swap3A_63 = arith.constant 240 : index
    %swap3A_64 = tpu.vector_load %arg19[%swap3A_63] {strides = array<i32>} : memref<1000xf32, #tpu.memory_space<vmem>>, vector<16xf32>,
    tpu.vector_store %arg19[%swap3A_63], %broadcast_in_dim3A_62 {strides = array<i32>} : memref<1000xf32, #tpu.memory_space<vmem>>, vector<16xf32>,
    %broadcast_in_dim3A_65 = arith.constant 0.000000e+00 : f32
    %broadcast_in_dim3A_66 = vector.broadcast %broadcast_in_dim3A_65 : f32 to vector<16xf32>
    %swap3A_67 = arith.constant 256 : index
    %swap3A_68 = tpu.vector_load %arg19[%swap3A_67] {strides = array<i32>} : memref<1000xf32, #tpu.memory_space<vmem>>, vector<16xf32>,
    tpu.vector_store %arg19[%swap3A_67], %broadcast_in_dim3A_66 {strides = array<i32>} : memref<1000xf32, #tpu.memory_space<vmem>>, vector<16xf32>,
    %broadcast_in_dim3A_69 = arith.constant 0.000000e+00 : f32
    %broadcast_in_dim3A_70 = vector.broadcast %broadcast_in_dim3A_69 : f32 to vector<16xf32>
    %swap3A_71 = arith.constant 272 : index
    %swap3A_72 = tpu.vector_load %arg19[%swap3A_71] {strides = array<i32>} : memref<1000xf32, #tpu.memory_space<vmem>>, vector<16xf32>,
    tpu.vector_store %arg19[%swap3A_71], %broadcast_in_dim3A_70 {strides = array<i32>} : memref<1000xf32, #tpu.memory_space<vmem>>, vector<16xf32>,
    %broadcast_in_dim3A_73 = arith.constant 0.000000e+00 : f32
    %broadcast_in_dim3A_74 = vector.broadcast %broadcast_in_dim3A_73 : f32 to vector<16xf32>
    %swap3A_75 = arith.constant 288 : index
    %swap3A_76 = tpu.vector_load %arg19[%swap3A_75] {strides = array<i32>} : memref<1000xf32, #tpu.memory_space<vmem>>, vector<16xf32>,
    tpu.vector_store %arg19[%swap3A_75], %broadcast_in_dim3A_74 {strides = array<i32>} : memref<1000xf32, #tpu.memory_space<vmem>>, vector<16xf32>,
    %broadcast_in_dim3A_77 = arith.constant 0.000000e+00 : f32
    %broadcast_in_dim3A_78 = vector.broadcast %broadcast_in_dim3A_77 : f32 to vector<16xf32>
    %swap3A_79 = arith.constant 304 : index
    %swap3A_80 = tpu.vector_load %arg19[%swap3A_79] {strides = array<i32>} : memref<1000xf32, #tpu.memory_space<vmem>>, vector<16xf32>,
    tpu.vector_store %arg19[%swap3A_79], %broadcast_in_dim3A_78 {strides = array<i32>} : memref<1000xf32, #tpu.memory_space<vmem>>, vector<16xf32>,
    %broadcast_in_dim3A_81 = arith.constant 0.000000e+00 : f32
    %broadcast_in_dim3A_82 = vector.broadcast %broadcast_in_dim3A_81 : f32 to vector<16xf32>
    %swap3A_83 = arith.constant 320 : index
    %swap3A_84 = tpu.vector_load %arg19[%swap3A_83] {strides = array<i32>} : memref<1000xf32, #tpu.memory_space<vmem>>, vector<16xf32>,
    tpu.vector_store %arg19[%swap3A_83], %broadcast_in_dim3A_82 {strides = array<i32>} : memref<1000xf32, #tpu.memory_space<vmem>>, vector<16xf32>,
    %broadcast_in_dim3A_85 = arith.constant 0.000000e+00 : f32
    %broadcast_in_dim3A_86 = vector.broadcast %broadcast_in_dim3A_85 : f32 to vector<16xf32>
    %swap3A_87 = arith.constant 336 : index
    %swap3A_88 = tpu.vector_load %arg19[%swap3A_87] {strides = array<i32>} : memref<1000xf32, #tpu.memory_space<vmem>>, vector<16xf32>,
    tpu.vector_store %arg19[%swap3A_87], %broadcast_in_dim3A_86 {strides = array<i32>} : memref<1000xf32, #tpu.memory_space<vmem>>, vector<16xf32>,
    %broadcast_in_dim3A_89 = arith.constant 0.000000e+00 : f32
    %broadcast_in_dim3A_90 = vector.broadcast %broadcast_in_dim3A_89 : f32 to vector<16xf32>
    %swap3A_91 = arith.constant 352 : index
    %swap3A_92 = tpu.vector_load %arg19[%swap3A_91] {strides = array<i32>} : memref<1000xf32, #tpu.memory_space<vmem>>, vector<16xf32>,
    tpu.vector_store %arg19[%swap3A_91], %broadcast_in_dim3A_90 {strides = array<i32>} : memref<1000xf32, #tpu.memory_space<vmem>>, vector<16xf32>,
    %broadcast_in_dim3A_93 = arith.constant 0.000000e+00 : f32
    %broadcast_in_dim3A_94 = vector.broadcast %broadcast_in_dim3A_93 : f32 to vector<16xf32>
    %swap3A_95 = arith.constant 368 : index
    %swap3A_96 = tpu.vector_load %arg19[%swap3A_95] {strides = array<i32>} : memref<1000xf32, #tpu.memory_space<vmem>>, vector<16xf32>,
    tpu.vector_store %arg19[%swap3A_95], %broadcast_in_dim3A_94 {strides = array<i32>} : memref<1000xf32, #tpu.memory_space<vmem>>, vector<16xf32>,
    %broadcast_in_dim3A_97 = arith.constant 0.000000e+00 : f32
    %broadcast_in_dim3A_98 = vector.broadcast %broadcast_in_dim3A_97 : f32 to vector<16xf32>
    %swap3A_99 = arith.constant 384 : index
    %swap3A_100 = tpu.vector_load %arg19[%swap3A_99] {strides = array<i32>} : memref<1000xf32, #tpu.memory_space<vmem>>, vector<16xf32>,
    tpu.vector_store %arg19[%swap3A_99], %broadcast_in_dim3A_98 {strides = array<i32>} : memref<1000xf32, #tpu.memory_space<vmem>>, vector<16xf32>,
    %broadcast_in_dim3A_101 = arith.constant 0.000000e+00 : f32
    %broadcast_in_dim3A_102 = vector.broadcast %broadcast_in_dim3A_101 : f32 to vector<16xf32>
    %swap3A_103 = arith.constant 400 : index
    %swap3A_104 = tpu.vector_load %arg19[%swap3A_103] {strides = array<i32>} : memref<1000xf32, #tpu.memory_space<vmem>>, vector<16xf32>,
    tpu.vector_store %arg19[%swap3A_103], %broadcast_in_dim3A_102 {strides = array<i32>} : memref<1000xf32, #tpu.memory_space<vmem>>, vector<16xf32>,
    %broadcast_in_dim3A_105 = arith.constant 0.000000e+00 : f32
    %broadcast_in_dim3A_106 = vector.broadcast %broadcast_in_dim3A_105 : f32 to vector<16xf32>
    %swap3A_107 = arith.constant 416 : index
    %swap3A_108 = tpu.vector_load %arg19[%swap3A_107] {strides = array<i32>} : memref<1000xf32, #tpu.memory_space<vmem>>, vector<16xf32>,
    tpu.vector_store %arg19[%swap3A_107], %broadcast_in_dim3A_106 {strides = array<i32>} : memref<1000xf32, #tpu.memory_space<vmem>>, vector<16xf32>,
    %broadcast_in_dim3A_109 = arith.constant 0.000000e+00 : f32
    %broadcast_in_dim3A_110 = vector.broadcast %broadcast_in_dim3A_109 : f32 to vector<16xf32>
    %swap3A_111 = arith.constant 432 : index
    %swap3A_112 = tpu.vector_load %arg19[%swap3A_111] {strides = array<i32>} : memref<1000xf32, #tpu.memory_space<vmem>>, vector<16xf32>,
    tpu.vector_store %arg19[%swap3A_111], %broadcast_in_dim3A_110 {strides = array<i32>} : memref<1000xf32, #tpu.memory_space<vmem>>, vector<16xf32>,
    %broadcast_in_dim3A_113 = arith.constant 0.000000e+00 : f32
    %broadcast_in_dim3A_114 = vector.broadcast %broadcast_in_dim3A_113 : f32 to vector<16xf32>
    %swap3A_115 = arith.constant 448 : index
    %swap3A_116 = tpu.vector_load %arg19[%swap3A_115] {strides = array<i32>} : memref<1000xf32, #tpu.memory_space<vmem>>, vector<16xf32>,
    tpu.vector_store %arg19[%swap3A_115], %broadcast_in_dim3A_114 {strides = array<i32>} : memref<1000xf32, #tpu.memory_space<vmem>>, vector<16xf32>,
    %broadcast_in_dim3A_117 = arith.constant 0.000000e+00 : f32
    %broadcast_in_dim3A_118 = vector.broadcast %broadcast_in_dim3A_117 : f32 to vector<16xf32>
    %swap3A_119 = arith.constant 464 : index
    %swap3A_120 = tpu.vector_load %arg19[%swap3A_119] {strides = array<i32>} : memref<1000xf32, #tpu.memory_space<vmem>>, vector<16xf32>,
    tpu.vector_store %arg19[%swap3A_119], %broadcast_in_dim3A_118 {strides = array<i32>} : memref<1000xf32, #tpu.memory_space<vmem>>, vector<16xf32>,
    %broadcast_in_dim3A_121 = arith.constant 0.000000e+00 : f32
    %broadcast_in_dim3A_122 = vector.broadcast %broadcast_in_dim3A_121 : f32 to vector<16xf32>
    %swap3A_123 = arith.constant 480 : index
    %swap3A_124 = tpu.vector_load %arg19[%swap3A_123] {strides = array<i32>} : memref<1000xf32, #tpu.memory_space<vmem>>, vector<16xf32>,
    tpu.vector_store %arg19[%swap3A_123], %broadcast_in_dim3A_122 {strides = array<i32>} : memref<1000xf32, #tpu.memory_space<vmem>>, vector<16xf32>,
    %broadcast_in_dim3A_125 = arith.constant 0.000000e+00 : f32
    %broadcast_in_dim3A_126 = vector.broadcast %broadcast_in_dim3A_125 : f32 to vector<16xf32>
    %swap3A_127 = arith.constant 496 : index
    %swap3A_128 = tpu.vector_load %arg19[%swap3A_127] {strides = array<i32>} : memref<1000xf32, #tpu.memory_space<vmem>>, vector<16xf32>,
    tpu.vector_store %arg19[%swap3A_127], %broadcast_in_dim3A_126 {strides = array<i32>} : memref<1000xf32, #tpu.memory_space<vmem>>, vector<16xf32>,
    %broadcast_in_dim3A_129 = arith.constant 0.000000e+00 : f32
    %broadcast_in_dim3A_130 = vector.broadcast %broadcast_in_dim3A_129 : f32 to vector<16xf32>
    %swap3A_131 = arith.constant 512 : index
    %swap3A_132 = tpu.vector_load %arg19[%swap3A_131] {strides = array<i32>} : memref<1000xf32, #tpu.memory_space<vmem>>, vector<16xf32>,
    tpu.vector_store %arg19[%swap3A_131], %broadcast_in_dim3A_130 {strides = array<i32>} : memref<1000xf32, #tpu.memory_space<vmem>>, vector<16xf32>,
    %broadcast_in_dim3A_133 = arith.constant 0.000000e+00 : f32
    %broadcast_in_dim3A_134 = vector.broadcast %broadcast_in_dim3A_133 : f32 to vector<16xf32>
    %swap3A_135 = arith.constant 528 : index
    %swap3A_136 = tpu.vector_load %arg19[%swap3A_135] {strides = array<i32>} : memref<1000xf32, #tpu.memory_space<vmem>>, vector<16xf32>,
    tpu.vector_store %arg19[%swap3A_135], %broadcast_in_dim3A_134 {strides = array<i32>} : memref<1000xf32, #tpu.memory_space<vmem>>, vector<16xf32>,
    %broadcast_in_dim3A_137 = arith.constant 0.000000e+00 : f32
    %broadcast_in_dim3A_138 = vector.broadcast %broadcast_in_dim3A_137 : f32 to vector<16xf32>
    %swap3A_139 = arith.constant 544 : index
    %swap3A_140 = tpu.vector_load %arg19[%swap3A_139] {strides = array<i32>} : memref<1000xf32, #tpu.memory_space<vmem>>, vector<16xf32>,
    tpu.vector_store %arg19[%swap3A_139], %broadcast_in_dim3A_138 {strides = array<i32>} : memref<1000xf32, #tpu.memory_space<vmem>>, vector<16xf32>,
    %broadcast_in_dim3A_141 = arith.constant 0.000000e+00 : f32
    %broadcast_in_dim3A_142 = vector.broadcast %broadcast_in_dim3A_141 : f32 to vector<16xf32>
    %swap3A_143 = arith.constant 560 : index
    %swap3A_144 = tpu.vector_load %arg19[%swap3A_143] {strides = array<i32>} : memref<1000xf32, #tpu.memory_space<vmem>>, vector<16xf32>,
    tpu.vector_store %arg19[%swap3A_143], %broadcast_in_dim3A_142 {strides = array<i32>} : memref<1000xf32, #tpu.memory_space<vmem>>, vector<16xf32>,
    %broadcast_in_dim3A_145 = arith.constant 0.000000e+00 : f32
    %broadcast_in_dim3A_146 = vector.broadcast %broadcast_in_dim3A_145 : f32 to vector<16xf32>
    %swap3A_147 = arith.constant 576 : index
    %swap3A_148 = tpu.vector_load %arg19[%swap3A_147] {strides = array<i32>} : memref<1000xf32, #tpu.memory_space<vmem>>, vector<16xf32>,
    tpu.vector_store %arg19[%swap3A_147], %broadcast_in_dim3A_146 {strides = array<i32>} : memref<1000xf32, #tpu.memory_space<vmem>>, vector<16xf32>,
    %broadcast_in_dim3A_149 = arith.constant 0.000000e+00 : f32
    %broadcast_in_dim3A_150 = vector.broadcast %broadcast_in_dim3A_149 : f32 to vector<16xf32>
    %swap3A_151 = arith.constant 592 : index
    %swap3A_152 = tpu.vector_load %arg19[%swap3A_151] {strides = array<i32>} : memref<1000xf32, #tpu.memory_space<vmem>>, vector<16xf32>,
    tpu.vector_store %arg19[%swap3A_151], %broadcast_in_dim3A_150 {strides = array<i32>} : memref<1000xf32, #tpu.memory_space<vmem>>, vector<16xf32>,
    %broadcast_in_dim3A_153 = arith.constant 0.000000e+00 : f32
    %broadcast_in_dim3A_154 = vector.broadcast %broadcast_in_dim3A_153 : f32 to vector<16xf32>
    %swap3A_155 = arith.constant 608 : index
    %swap3A_156 = tpu.vector_load %arg19[%swap3A_155] {strides = array<i32>} : memref<1000xf32, #tpu.memory_space<vmem>>, vector<16xf32>,
    tpu.vector_store %arg19[%swap3A_155], %broadcast_in_dim3A_154 {strides = array<i32>} : memref<1000xf32, #tpu.memory_space<vmem>>, vector<16xf32>,
    %broadcast_in_dim3A_157 = arith.constant 0.000000e+00 : f32
    %broadcast_in_dim3A_158 = vector.broadcast %broadcast_in_dim3A_157 : f32 to vector<16xf32>
    %swap3A_159 = arith.constant 624 : index
    %swap3A_160 = tpu.vector_load %arg19[%swap3A_159] {strides = array<i32>} : memref<1000xf32, #tpu.memory_space<vmem>>, vector<16xf32>,
    tpu.vector_store %arg19[%swap3A_159], %broadcast_in_dim3A_158 {strides = array<i32>} : memref<1000xf32, #tpu.memory_space<vmem>>, vector<16xf32>,
    %broadcast_in_dim3A_161 = arith.constant 0.000000e+00 : f32
    %broadcast_in_dim3A_162 = vector.broadcast %broadcast_in_dim3A_161 : f32 to vector<16xf32>
    %swap3A_163 = arith.constant 640 : index
    %swap3A_164 = tpu.vector_load %arg19[%swap3A_163] {strides = array<i32>} : memref<1000xf32, #tpu.memory_space<vmem>>, vector<16xf32>,
    tpu.vector_store %arg19[%swap3A_163], %broadcast_in_dim3A_162 {strides = array<i32>} : memref<1000xf32, #tpu.memory_space<vmem>>, vector<16xf32>,
    %broadcast_in_dim3A_165 = arith.constant 0.000000e+00 : f32
    %broadcast_in_dim3A_166 = vector.broadcast %broadcast_in_dim3A_165 : f32 to vector<16xf32>
    %swap3A_167 = arith.constant 656 : index
    %swap3A_168 = tpu.vector_load %arg19[%swap3A_167] {strides = array<i32>} : memref<1000xf32, #tpu.memory_space<vmem>>, vector<16xf32>,
    tpu.vector_store %arg19[%swap3A_167], %broadcast_in_dim3A_166 {strides = array<i32>} : memref<1000xf32, #tpu.memory_space<vmem>>, vector<16xf32>,
    %broadcast_in_dim3A_169 = arith.constant 0.000000e+00 : f32
    %broadcast_in_dim3A_170 = vector.broadcast %broadcast_in_dim3A_169 : f32 to vector<16xf32>
    %swap3A_171 = arith.constant 672 : index
    %swap3A_172 = tpu.vector_load %arg19[%swap3A_171] {strides = array<i32>} : memref<1000xf32, #tpu.memory_space<vmem>>, vector<16xf32>,
    tpu.vector_store %arg19[%swap3A_171], %broadcast_in_dim3A_170 {strides = array<i32>} : memref<1000xf32, #tpu.memory_space<vmem>>, vector<16xf32>,
    %broadcast_in_dim3A_173 = arith.constant 0.000000e+00 : f32
    %broadcast_in_dim3A_174 = vector.broadcast %broadcast_in_dim3A_173 : f32 to vector<16xf32>
    %swap3A_175 = arith.constant 688 : index
    %swap3A_176 = tpu.vector_load %arg19[%swap3A_175] {strides = array<i32>} : memref<1000xf32, #tpu.memory_space<vmem>>, vector<16xf32>,
    tpu.vector_store %arg19[%swap3A_175], %broadcast_in_dim3A_174 {strides = array<i32>} : memref<1000xf32, #tpu.memory_space<vmem>>, vector<16xf32>,
    %broadcast_in_dim3A_177 = arith.constant 0.000000e+00 : f32
    %broadcast_in_dim3A_178 = vector.broadcast %broadcast_in_dim3A_177 : f32 to vector<16xf32>
    %swap3A_179 = arith.constant 704 : index
    %swap3A_180 = tpu.vector_load %arg19[%swap3A_179] {strides = array<i32>} : memref<1000xf32, #tpu.memory_space<vmem>>, vector<16xf32>,
    tpu.vector_store %arg19[%swap3A_179], %broadcast_in_dim3A_178 {strides = array<i32>} : memref<1000xf32, #tpu.memory_space<vmem>>, vector<16xf32>,
    %broadcast_in_dim3A_181 = arith.constant 0.000000e+00 : f32
    %broadcast_in_dim3A_182 = vector.broadcast %broadcast_in_dim3A_181 : f32 to vector<16xf32>
    %swap3A_183 = arith.constant 720 : index
    %swap3A_184 = tpu.vector_load %arg19[%swap3A_183] {strides = array<i32>} : memref<1000xf32, #tpu.memory_space<vmem>>, vector<16xf32>,
    tpu.vector_store %arg19[%swap3A_183], %broadcast_in_dim3A_182 {strides = array<i32>} : memref<1000xf32, #tpu.memory_space<vmem>>, vector<16xf32>,
    %broadcast_in_dim3A_185 = arith.constant 0.000000e+00 : f32
    %broadcast_in_dim3A_186 = vector.broadcast %broadcast_in_dim3A_185 : f32 to vector<16xf32>
    %swap3A_187 = arith.constant 736 : index
    %swap3A_188 = tpu.vector_load %arg19[%swap3A_187] {strides = array<i32>} : memref<1000xf32, #tpu.memory_space<vmem>>, vector<16xf32>,
    tpu.vector_store %arg19[%swap3A_187], %broadcast_in_dim3A_186 {strides = array<i32>} : memref<1000xf32, #tpu.memory_space<vmem>>, vector<16xf32>,
    %broadcast_in_dim3A_189 = arith.constant 0.000000e+00 : f32
    %broadcast_in_dim3A_190 = vector.broadcast %broadcast_in_dim3A_189 : f32 to vector<16xf32>
    %swap3A_191 = arith.constant 752 : index
    %swap3A_192 = tpu.vector_load %arg19[%swap3A_191] {strides = array<i32>} : memref<1000xf32, #tpu.memory_space<vmem>>, vector<16xf32>,
    tpu.vector_store %arg19[%swap3A_191], %broadcast_in_dim3A_190 {strides = array<i32>} : memref<1000xf32, #tpu.memory_space<vmem>>, vector<16xf32>,
    %broadcast_in_dim3A_193 = arith.constant 0.000000e+00 : f32
    %broadcast_in_dim3A_194 = vector.broadcast %broadcast_in_dim3A_193 : f32 to vector<16xf32>
    %swap3A_195 = arith.constant 768 : index
    %swap3A_196 = tpu.vector_load %arg19[%swap3A_195] {strides = array<i32>} : memref<1000xf32, #tpu.memory_space<vmem>>, vector<16xf32>,
    tpu.vector_store %arg19[%swap3A_195], %broadcast_in_dim3A_194 {strides = array<i32>} : memref<1000xf32, #tpu.memory_space<vmem>>, vector<16xf32>,
    %broadcast_in_dim3A_197 = arith.constant 0.000000e+00 : f32
    %broadcast_in_dim3A_198 = vector.broadcast %broadcast_in_dim3A_197 : f32 to vector<16xf32>
    %swap3A_199 = arith.constant 784 : index
    %swap3A_200 = tpu.vector_load %arg19[%swap3A_199] {strides = array<i32>} : memref<1000xf32, #tpu.memory_space<vmem>>, vector<16xf32>,
    tpu.vector_store %arg19[%swap3A_199], %broadcast_in_dim3A_198 {strides = array<i32>} : memref<1000xf32, #tpu.memory_space<vmem>>, vector<16xf32>,
    %broadcast_in_dim3A_201 = arith.constant 0.000000e+00 : f32
    %broadcast_in_dim3A_202 = vector.broadcast %broadcast_in_dim3A_201 : f32 to vector<16xf32>
    %swap3A_203 = arith.constant 800 : index
    %swap3A_204 = tpu.vector_load %arg19[%swap3A_203] {strides = array<i32>} : memref<1000xf32, #tpu.memory_space<vmem>>, vector<16xf32>,
    tpu.vector_store %arg19[%swap3A_203], %broadcast_in_dim3A_202 {strides = array<i32>} : memref<1000xf32, #tpu.memory_space<vmem>>, vector<16xf32>,
    %broadcast_in_dim3A_205 = arith.constant 0.000000e+00 : f32
    %broadcast_in_dim3A_206 = vector.broadcast %broadcast_in_dim3A_205 : f32 to vector<16xf32>
    %swap3A_207 = arith.constant 816 : index
    %swap3A_208 = tpu.vector_load %arg19[%swap3A_207] {strides = array<i32>} : memref<1000xf32, #tpu.memory_space<vmem>>, vector<16xf32>,
    tpu.vector_store %arg19[%swap3A_207], %broadcast_in_dim3A_206 {strides = array<i32>} : memref<1000xf32, #tpu.memory_space<vmem>>, vector<16xf32>,
    %broadcast_in_dim3A_209 = arith.constant 0.000000e+00 : f32
    %broadcast_in_dim3A_210 = vector.broadcast %broadcast_in_dim3A_209 : f32 to vector<16xf32>
    %swap3A_211 = arith.constant 832 : index
    %swap3A_212 = tpu.vector_load %arg19[%swap3A_211] {strides = array<i32>} : memref<1000xf32, #tpu.memory_space<vmem>>, vector<16xf32>,
    tpu.vector_store %arg19[%swap3A_211], %broadcast_in_dim3A_210 {strides = array<i32>} : memref<1000xf32, #tpu.memory_space<vmem>>, vector<16xf32>,
    %broadcast_in_dim3A_213 = arith.constant 0.000000e+00 : f32
    %broadcast_in_dim3A_214 = vector.broadcast %broadcast_in_dim3A_213 : f32 to vector<16xf32>
    %swap3A_215 = arith.constant 848 : index
    %swap3A_216 = tpu.vector_load %arg19[%swap3A_215] {strides = array<i32>} : memref<1000xf32, #tpu.memory_space<vmem>>, vector<16xf32>,
    tpu.vector_store %arg19[%swap3A_215], %broadcast_in_dim3A_214 {strides = array<i32>} : memref<1000xf32, #tpu.memory_space<vmem>>, vector<16xf32>,
    %broadcast_in_dim3A_217 = arith.constant 0.000000e+00 : f32
    %broadcast_in_dim3A_218 = vector.broadcast %broadcast_in_dim3A_217 : f32 to vector<16xf32>
    %swap3A_219 = arith.constant 864 : index
    %swap3A_220 = tpu.vector_load %arg19[%swap3A_219] {strides = array<i32>} : memref<1000xf32, #tpu.memory_space<vmem>>, vector<16xf32>,
    tpu.vector_store %arg19[%swap3A_219], %broadcast_in_dim3A_218 {strides = array<i32>} : memref<1000xf32, #tpu.memory_space<vmem>>, vector<16xf32>,
    %broadcast_in_dim3A_221 = arith.constant 0.000000e+00 : f32
    %broadcast_in_dim3A_222 = vector.broadcast %broadcast_in_dim3A_221 : f32 to vector<16xf32>
    %swap3A_223 = arith.constant 880 : index
    %swap3A_224 = tpu.vector_load %arg19[%swap3A_223] {strides = array<i32>} : memref<1000xf32, #tpu.memory_space<vmem>>, vector<16xf32>,
    tpu.vector_store %arg19[%swap3A_223], %broadcast_in_dim3A_222 {strides = array<i32>} : memref<1000xf32, #tpu.memory_space<vmem>>, vector<16xf32>,
    %broadcast_in_dim3A_225 = arith.constant 0.000000e+00 : f32
    %broadcast_in_dim3A_226 = vector.broadcast %broadcast_in_dim3A_225 : f32 to vector<16xf32>
    %swap3A_227 = arith.constant 896 : index
    %swap3A_228 = tpu.vector_load %arg19[%swap3A_227] {strides = array<i32>} : memref<1000xf32, #tpu.memory_space<vmem>>, vector<16xf32>,
    tpu.vector_store %arg19[%swap3A_227], %broadcast_in_dim3A_226 {strides = array<i32>} : memref<1000xf32, #tpu.memory_space<vmem>>, vector<16xf32>,
    %broadcast_in_dim3A_229 = arith.constant 0.000000e+00 : f32
    %broadcast_in_dim3A_230 = vector.broadcast %broadcast_in_dim3A_229 : f32 to vector<16xf32>
    %swap3A_231 = arith.constant 912 : index
    %swap3A_232 = tpu.vector_load %arg19[%swap3A_231] {strides = array<i32>} : memref<1000xf32, #tpu.memory_space<vmem>>, vector<16xf32>,
    tpu.vector_store %arg19[%swap3A_231], %broadcast_in_dim3A_230 {strides = array<i32>} : memref<1000xf32, #tpu.memory_space<vmem>>, vector<16xf32>,
    %broadcast_in_dim3A_233 = arith.constant 0.000000e+00 : f32
    %broadcast_in_dim3A_234 = vector.broadcast %broadcast_in_dim3A_233 : f32 to vector<16xf32>
    %swap3A_235 = arith.constant 928 : index
    %swap3A_236 = tpu.vector_load %arg19[%swap3A_235] {strides = array<i32>} : memref<1000xf32, #tpu.memory_space<vmem>>, vector<16xf32>,
    tpu.vector_store %arg19[%swap3A_235], %broadcast_in_dim3A_234 {strides = array<i32>} : memref<1000xf32, #tpu.memory_space<vmem>>, vector<16xf32>,
    %broadcast_in_dim3A_237 = arith.constant 0.000000e+00 : f32
    %broadcast_in_dim3A_238 = vector.broadcast %broadcast_in_dim3A_237 : f32 to vector<16xf32>
    %swap3A_239 = arith.constant 944 : index
    %swap3A_240 = tpu.vector_load %arg19[%swap3A_239] {strides = array<i32>} : memref<1000xf32, #tpu.memory_space<vmem>>, vector<16xf32>,
    tpu.vector_store %arg19[%swap3A_239], %broadcast_in_dim3A_238 {strides = array<i32>} : memref<1000xf32, #tpu.memory_space<vmem>>, vector<16xf32>,
    %broadcast_in_dim3A_241 = arith.constant 0.000000e+00 : f32
    %broadcast_in_dim3A_242 = vector.broadcast %broadcast_in_dim3A_241 : f32 to vector<16xf32>
    %swap3A_243 = arith.constant 960 : index
    %swap3A_244 = tpu.vector_load %arg19[%swap3A_243] {strides = array<i32>} : memref<1000xf32, #tpu.memory_space<vmem>>, vector<16xf32>,
    tpu.vector_store %arg19[%swap3A_243], %broadcast_in_dim3A_242 {strides = array<i32>} : memref<1000xf32, #tpu.memory_space<vmem>>, vector<16xf32>,
    %broadcast_in_dim3A_245 = arith.constant 0.000000e+00 : f32
    %broadcast_in_dim3A_246 = vector.broadcast %broadcast_in_dim3A_245 : f32 to vector<16xf32>
    %swap3A_247 = arith.constant 976 : index
    %swap3A_248 = tpu.vector_load %arg19[%swap3A_247] {strides = array<i32>} : memref<1000xf32, #tpu.memory_space<vmem>>, vector<16xf32>,
    tpu.vector_store %arg19[%swap3A_247], %broadcast_in_dim3A_246 {strides = array<i32>} : memref<1000xf32, #tpu.memory_space<vmem>>, vector<16xf32>,
    %broadcast_in_dim3A_249 = arith.constant 1.000000e+00 : f32
    %broadcast_in_dim3A_250 = vector.broadcast %broadcast_in_dim3A_249 : f32 to vector<16xf32>
    %swap3A_251 = arith.constant 0 : index
    %swap3A_252 = tpu.vector_load %arg18[%swap3A_251] {strides = array<i32>} : memref<80xf32, #tpu.memory_space<vmem>>, vector<16xf32>,
    tpu.vector_store %arg18[%swap3A_251], %broadcast_in_dim3A_250 {strides = array<i32>} : memref<80xf32, #tpu.memory_space<vmem>>, vector<16xf32>,
    %broadcast_in_dim3A_253 = arith.constant 1.000000e+00 : f32
    %broadcast_in_dim3A_254 = vector.broadcast %broadcast_in_dim3A_253 : f32 to vector<16xf32>
    %swap3A_255 = arith.constant 16 : index
    %swap3A_256 = tpu.vector_load %arg18[%swap3A_255] {strides = array<i32>} : memref<80xf32, #tpu.memory_space<vmem>>, vector<16xf32>,
    tpu.vector_store %arg18[%swap3A_255], %broadcast_in_dim3A_254 {strides = array<i32>} : memref<80xf32, #tpu.memory_space<vmem>>, vector<16xf32>,
    %broadcast_in_dim3A_257 = arith.constant 1.000000e+00 : f32
    %broadcast_in_dim3A_258 = vector.broadcast %broadcast_in_dim3A_257 : f32 to vector<16xf32>
    %swap3A_259 = arith.constant 32 : index
    %swap3A_260 = tpu.vector_load %arg18[%swap3A_259] {strides = array<i32>} : memref<80xf32, #tpu.memory_space<vmem>>, vector<16xf32>,
    tpu.vector_store %arg18[%swap3A_259], %broadcast_in_dim3A_258 {strides = array<i32>} : memref<80xf32, #tpu.memory_space<vmem>>, vector<16xf32>,
    %broadcast_in_dim3A_261 = arith.constant 1.000000e+00 : f32
    %broadcast_in_dim3A_262 = vector.broadcast %broadcast_in_dim3A_261 : f32 to vector<16xf32>
    %swap3A_263 = arith.constant 48 : index
    %swap3A_264 = tpu.vector_load %arg18[%swap3A_263] {strides = array<i32>} : memref<80xf32, #tpu.memory_space<vmem>>, vector<16xf32>,
    tpu.vector_store %arg18[%swap3A_263], %broadcast_in_dim3A_262 {strides = array<i32>} : memref<80xf32, #tpu.memory_space<vmem>>, vector<16xf32>,
    %broadcast_in_dim3A_265 = arith.constant 1.000000e+00 : f32
    %broadcast_in_dim3A_266 = vector.broadcast %broadcast_in_dim3A_265 : f32 to vector<16xf32>
    %swap3A_267 = arith.constant 64 : index
    %swap3A_268 = tpu.vector_load %arg18[%swap3A_267] {strides = array<i32>} : memref<80xf32, #tpu.memory_space<vmem>>, vector<16xf32>,
    tpu.vector_store %arg18[%swap3A_267], %broadcast_in_dim3A_266 {strides = array<i32>} : memref<80xf32, #tpu.memory_space<vmem>>, vector<16xf32>,
    %lt3A = arith.constant 10 : i32
    %lt3A_269 = arith.cmpi slt, %arg1, %lt3A : i32
    %convert_element_type3A = arith.extui %lt3A_269 : i1 to i32
    %cond3A = arith.constant 0 : i32
    %cond3A_270 = arith.cmpi ne, %convert_element_type3A, %cond3A : i32
    scf.if %cond3A_270 {
      %mul3A_287 = arith.constant 1000 : i32
      %mul3A_288 = arith.muli %arg1, %mul3A_287 : i32
      "tpu.region"() ({
        %run_scoped3A = tpu.sem_alloc : memref<!tpu.dma_semaphore, #tpu.memory_space<semaphore_mem>>
        %dma_start3A = tpu.memref_slice %arg21[%mul3A_288] : memref<10000xf32, #tpu.memory_space<vmem_shared>> -> memref<1000xf32, #tpu.memory_space<vmem_shared>>
        %dma_start3A_289 = tpu.memref_slice %arg21[%mul3A_288] : memref<10000xf32, #tpu.memory_space<vmem_shared>> -> memref<1000xf32, #tpu.memory_space<vmem_shared>>
        tpu.enqueue_dma source(%arg19 : memref<1000xf32, #tpu.memory_space<vmem>>) target(%dma_start3A_289 : memref<1000xf32, #tpu.memory_space<vmem_shared>>) target_semaphore(%run_scoped3A : memref<!tpu.dma_semaphore, #tpu.memory_space<semaphore_mem>>)
        %dma_wait3A = tpu.memref_slice %arg21[%mul3A_288] : memref<10000xf32, #tpu.memory_space<vmem_shared>> -> memref<1000xf32, #tpu.memory_space<vmem_shared>>
        %dma_wait3A_290 = tpu.memref_slice %arg21[%mul3A_288] : memref<10000xf32, #tpu.memory_space<vmem_shared>> -> memref<1000xf32, #tpu.memory_space<vmem_shared>>
        tpu.wait_dma2 semaphore(%run_scoped3A : memref<!tpu.dma_semaphore, #tpu.memory_space<semaphore_mem>>) src(%arg19 : memref<1000xf32, #tpu.memory_space<vmem>>) dst(%dma_wait3A_290 : memref<1000xf32, #tpu.memory_space<vmem_shared>>)
        tpu.yield
      }) : () -> ()
      "tpu.region"() ({
        %run_scoped3A = tpu.sem_alloc : memref<!tpu.dma_semaphore, #tpu.memory_space<semaphore_mem>>
        %dma_start3A = tpu.memref_slice %arg22[%mul3A_288] : memref<10000xf32, #tpu.memory_space<vmem_shared>> -> memref<1000xf32, #tpu.memory_space<vmem_shared>>
        %dma_start3A_289 = tpu.memref_slice %arg22[%mul3A_288] : memref<10000xf32, #tpu.memory_space<vmem_shared>> -> memref<1000xf32, #tpu.memory_space<vmem_shared>>
        tpu.enqueue_dma source(%arg19 : memref<1000xf32, #tpu.memory_space<vmem>>) target(%dma_start3A_289 : memref<1000xf32, #tpu.memory_space<vmem_shared>>) target_semaphore(%run_scoped3A : memref<!tpu.dma_semaphore, #tpu.memory_space<semaphore_mem>>)
        %dma_wait3A = tpu.memref_slice %arg22[%mul3A_288] : memref<10000xf32, #tpu.memory_space<vmem_shared>> -> memref<1000xf32, #tpu.memory_space<vmem_shared>>
        %dma_wait3A_290 = tpu.memref_slice %arg22[%mul3A_288] : memref<10000xf32, #tpu.memory_space<vmem_shared>> -> memref<1000xf32, #tpu.memory_space<vmem_shared>>
        tpu.wait_dma2 semaphore(%run_scoped3A : memref<!tpu.dma_semaphore, #tpu.memory_space<semaphore_mem>>) src(%arg19 : memref<1000xf32, #tpu.memory_space<vmem>>) dst(%dma_wait3A_290 : memref<1000xf32, #tpu.memory_space<vmem_shared>>)
        tpu.yield
      }) : () -> ()
      "tpu.region"() ({
        %run_scoped3A = tpu.sem_alloc : memref<!tpu.dma_semaphore, #tpu.memory_space<semaphore_mem>>
        %dma_start3A = tpu.memref_slice %arg23[%mul3A_288] : memref<10000xf32, #tpu.memory_space<vmem_shared>> -> memref<1000xf32, #tpu.memory_space<vmem_shared>>
        %dma_start3A_289 = tpu.memref_slice %arg23[%mul3A_288] : memref<10000xf32, #tpu.memory_space<vmem_shared>> -> memref<1000xf32, #tpu.memory_space<vmem_shared>>
        tpu.enqueue_dma source(%arg19 : memref<1000xf32, #tpu.memory_space<vmem>>) target(%dma_start3A_289 : memref<1000xf32, #tpu.memory_space<vmem_shared>>) target_semaphore(%run_scoped3A : memref<!tpu.dma_semaphore, #tpu.memory_space<semaphore_mem>>)
        %dma_wait3A = tpu.memref_slice %arg23[%mul3A_288] : memref<10000xf32, #tpu.memory_space<vmem_shared>> -> memref<1000xf32, #tpu.memory_space<vmem_shared>>
        %dma_wait3A_290 = tpu.memref_slice %arg23[%mul3A_288] : memref<10000xf32, #tpu.memory_space<vmem_shared>> -> memref<1000xf32, #tpu.memory_space<vmem_shared>>
        tpu.wait_dma2 semaphore(%run_scoped3A : memref<!tpu.dma_semaphore, #tpu.memory_space<semaphore_mem>>) src(%arg19 : memref<1000xf32, #tpu.memory_space<vmem>>) dst(%dma_wait3A_290 : memref<1000xf32, #tpu.memory_space<vmem_shared>>)
        tpu.yield
      }) : () -> ()
      "tpu.region"() ({
        %run_scoped3A = tpu.sem_alloc : memref<!tpu.dma_semaphore, #tpu.memory_space<semaphore_mem>>
        %dma_start3A = tpu.memref_slice %arg24[%mul3A_288] : memref<10000xf32, #tpu.memory_space<vmem_shared>> -> memref<1000xf32, #tpu.memory_space<vmem_shared>>
        %dma_start3A_289 = tpu.memref_slice %arg24[%mul3A_288] : memref<10000xf32, #tpu.memory_space<vmem_shared>> -> memref<1000xf32, #tpu.memory_space<vmem_shared>>
        tpu.enqueue_dma source(%arg19 : memref<1000xf32, #tpu.memory_space<vmem>>) target(%dma_start3A_289 : memref<1000xf32, #tpu.memory_space<vmem_shared>>) target_semaphore(%run_scoped3A : memref<!tpu.dma_semaphore, #tpu.memory_space<semaphore_mem>>)
        %dma_wait3A = tpu.memref_slice %arg24[%mul3A_288] : memref<10000xf32, #tpu.memory_space<vmem_shared>> -> memref<1000xf32, #tpu.memory_space<vmem_shared>>
        %dma_wait3A_290 = tpu.memref_slice %arg24[%mul3A_288] : memref<10000xf32, #tpu.memory_space<vmem_shared>> -> memref<1000xf32, #tpu.memory_space<vmem_shared>>
        tpu.wait_dma2 semaphore(%run_scoped3A : memref<!tpu.dma_semaphore, #tpu.memory_space<semaphore_mem>>) src(%arg19 : memref<1000xf32, #tpu.memory_space<vmem>>) dst(%dma_wait3A_290 : memref<1000xf32, #tpu.memory_space<vmem_shared>>)
        tpu.yield
      }) : () -> ()
    } else {
    }
    %barrier3A = arith.constant 0 : index
    tpu.barrier barrier_id(%barrier3A)
    %scan3A = arith.constant 0 : i32
    %scan3A_271 = arith.constant 0 : i32
    %scan3A_272 = arith.constant 125 : i32
    %scan3A_273 = arith.addi %scan3A_271, %scan3A_272 : i32
    %scan3A_274 = arith.constant 1 : i32
    scf.for %scan3A_287 = %scan3A_271 to %scan3A_273 step %scan3A_274  : i32 {
      %mul3A_288 = arith.constant 10000 : i32
      %mul3A_289 = arith.muli %add3A, %mul3A_288 : i32
      %mul3A_290 = arith.constant 80 : i32
      %mul3A_291 = arith.muli %scan3A_287, %mul3A_290 : i32
      %add3A_292 = arith.addi %mul3A_289, %mul3A_291 : i32
      "tpu.region"() ({
        %run_scoped3A = tpu.sem_alloc : memref<!tpu.dma_semaphore, #tpu.memory_space<semaphore_mem>>
        %dma_start3A_311 = tpu.memref_slice %arg6[%add3A_292] : memref<320000xi32, #tpu.memory_space<hbm>> -> memref<80xi32, #tpu.memory_space<hbm>>
        %dma_start3A_312 = tpu.memref_slice %arg6[%add3A_292] : memref<320000xi32, #tpu.memory_space<hbm>> -> memref<80xi32, #tpu.memory_space<hbm>>
        tpu.enqueue_dma source(%dma_start3A_312 : memref<80xi32, #tpu.memory_space<hbm>>) target(%arg13 : memref<80xi32, #tpu.memory_space<vmem>>) target_semaphore(%run_scoped3A : memref<!tpu.dma_semaphore, #tpu.memory_space<semaphore_mem>>)
        %dma_wait3A_313 = tpu.memref_slice %arg6[%add3A_292] : memref<320000xi32, #tpu.memory_space<hbm>> -> memref<80xi32, #tpu.memory_space<hbm>>
        %dma_wait3A_314 = tpu.memref_slice %arg6[%add3A_292] : memref<320000xi32, #tpu.memory_space<hbm>> -> memref<80xi32, #tpu.memory_space<hbm>>
        tpu.wait_dma2 semaphore(%run_scoped3A : memref<!tpu.dma_semaphore, #tpu.memory_space<semaphore_mem>>) src(%dma_wait3A_314 : memref<80xi32, #tpu.memory_space<hbm>>) dst(%arg13 : memref<80xi32, #tpu.memory_space<vmem>>)
        tpu.yield
      }) : () -> ()
      %dma_start3A = arith.constant 0 : i32
      %dma_start3A_293 = tpu.memref_slice %arg2[%add3A_292, %dma_start3A] : memref<320000x128xf32, #tpu.memory_space<hbm>> -> memref<80x128xf32, #tpu.memory_space<hbm>>
      %dma_start3A_294 = arith.constant 0 : i32
      %dma_start3A_295 = tpu.memref_slice %arg2[%add3A_292, %dma_start3A_294] : memref<320000x128xf32, #tpu.memory_space<hbm>> -> memref<80x128xf32, #tpu.memory_space<hbm>>
      tpu.enqueue_dma source(%dma_start3A_295 : memref<80x128xf32, #tpu.memory_space<hbm>>) target(%arg14 : memref<80x128xf32, #tpu.memory_space<vmem>>) target_semaphore(%arg25 : memref<!tpu.dma_semaphore, #tpu.memory_space<semaphore_mem>>)
      %dma_start3A_296 = tpu.memref_slice %arg3[%add3A_292] : memref<320000xf32, #tpu.memory_space<hbm>> -> memref<80xf32, #tpu.memory_space<hbm>>
      %dma_start3A_297 = tpu.memref_slice %arg3[%add3A_292] : memref<320000xf32, #tpu.memory_space<hbm>> -> memref<80xf32, #tpu.memory_space<hbm>>
      tpu.enqueue_dma source(%dma_start3A_297 : memref<80xf32, #tpu.memory_space<hbm>>) target(%arg15 : memref<80xf32, #tpu.memory_space<vmem>>) target_semaphore(%arg26 : memref<!tpu.dma_semaphore, #tpu.memory_space<semaphore_mem>>)
      %dma_start3A_298 = tpu.memref_slice %arg4[%add3A_292] : memref<320000xf32, #tpu.memory_space<hbm>> -> memref<80xf32, #tpu.memory_space<hbm>>
      %dma_start3A_299 = tpu.memref_slice %arg4[%add3A_292] : memref<320000xf32, #tpu.memory_space<hbm>> -> memref<80xf32, #tpu.memory_space<hbm>>
      tpu.enqueue_dma source(%dma_start3A_299 : memref<80xf32, #tpu.memory_space<hbm>>) target(%arg16 : memref<80xf32, #tpu.memory_space<vmem>>) target_semaphore(%arg27 : memref<!tpu.dma_semaphore, #tpu.memory_space<semaphore_mem>>)
      %dma_start3A_300 = tpu.memref_slice %arg5[%add3A_292] : memref<320000xf32, #tpu.memory_space<hbm>> -> memref<80xf32, #tpu.memory_space<hbm>>
      %dma_start3A_301 = tpu.memref_slice %arg5[%add3A_292] : memref<320000xf32, #tpu.memory_space<hbm>> -> memref<80xf32, #tpu.memory_space<hbm>>
      tpu.enqueue_dma source(%dma_start3A_301 : memref<80xf32, #tpu.memory_space<hbm>>) target(%arg17 : memref<80xf32, #tpu.memory_space<vmem>>) target_semaphore(%arg28 : memref<!tpu.dma_semaphore, #tpu.memory_space<semaphore_mem>>)
      %dma_wait3A = arith.constant 0 : i32
      %dma_wait3A_302 = tpu.memref_slice %arg2[%add3A_292, %dma_wait3A] : memref<320000x128xf32, #tpu.memory_space<hbm>> -> memref<80x128xf32, #tpu.memory_space<hbm>>
      %dma_wait3A_303 = arith.constant 0 : i32
      %dma_wait3A_304 = tpu.memref_slice %arg2[%add3A_292, %dma_wait3A_303] : memref<320000x128xf32, #tpu.memory_space<hbm>> -> memref<80x128xf32, #tpu.memory_space<hbm>>
      tpu.wait_dma2 semaphore(%arg25 : memref<!tpu.dma_semaphore, #tpu.memory_space<semaphore_mem>>) src(%dma_wait3A_304 : memref<80x128xf32, #tpu.memory_space<hbm>>) dst(%arg14 : memref<80x128xf32, #tpu.memory_space<vmem>>)
      %dma_wait3A_305 = tpu.memref_slice %arg3[%add3A_292] : memref<320000xf32, #tpu.memory_space<hbm>> -> memref<80xf32, #tpu.memory_space<hbm>>
      %dma_wait3A_306 = tpu.memref_slice %arg3[%add3A_292] : memref<320000xf32, #tpu.memory_space<hbm>> -> memref<80xf32, #tpu.memory_space<hbm>>
      tpu.wait_dma2 semaphore(%arg26 : memref<!tpu.dma_semaphore, #tpu.memory_space<semaphore_mem>>) src(%dma_wait3A_306 : memref<80xf32, #tpu.memory_space<hbm>>) dst(%arg15 : memref<80xf32, #tpu.memory_space<vmem>>)
      %dma_wait3A_307 = tpu.memref_slice %arg4[%add3A_292] : memref<320000xf32, #tpu.memory_space<hbm>> -> memref<80xf32, #tpu.memory_space<hbm>>
      %dma_wait3A_308 = tpu.memref_slice %arg4[%add3A_292] : memref<320000xf32, #tpu.memory_space<hbm>> -> memref<80xf32, #tpu.memory_space<hbm>>
      tpu.wait_dma2 semaphore(%arg27 : memref<!tpu.dma_semaphore, #tpu.memory_space<semaphore_mem>>) src(%dma_wait3A_308 : memref<80xf32, #tpu.memory_space<hbm>>) dst(%arg16 : memref<80xf32, #tpu.memory_space<vmem>>)
      %dma_wait3A_309 = tpu.memref_slice %arg5[%add3A_292] : memref<320000xf32, #tpu.memory_space<hbm>> -> memref<80xf32, #tpu.memory_space<hbm>>
      %dma_wait3A_310 = tpu.memref_slice %arg5[%add3A_292] : memref<320000xf32, #tpu.memory_space<hbm>> -> memref<80xf32, #tpu.memory_space<hbm>>
      tpu.wait_dma2 semaphore(%arg28 : memref<!tpu.dma_semaphore, #tpu.memory_space<semaphore_mem>>) src(%dma_wait3A_310 : memref<80xf32, #tpu.memory_space<hbm>>) dst(%arg17 : memref<80xf32, #tpu.memory_space<vmem>>)
      "tpu.region"() ({
        %run_scoped3A = tpu.sem_alloc : memref<!tpu.dma_semaphore, #tpu.memory_space<semaphore_mem>>
        %dma_start3A_311 = arith.constant 0 : i32
        %dma_start3A_312 = arith.constant 0 : i32
        %dma_start3A_313 = tpu.memref_slice %arg20[%dma_start3A_311, %dma_start3A_312] : memref<10000x128xf32, #tpu.memory_space<vmem_shared>> -> memref<10000x128xf32, #tpu.memory_space<vmem_shared>>
        tpu.enqueue_indirect_dma source(%arg14 : memref<80x128xf32, #tpu.memory_space<vmem>>) target(%dma_start3A_313 : memref<10000x128xf32, #tpu.memory_space<vmem_shared>>) offsets(%arg13 : memref<80xi32, #tpu.memory_space<vmem>>) semaphore(%run_scoped3A : memref<!tpu.dma_semaphore, #tpu.memory_space<semaphore_mem>>) {add = true}
        %dma_wait3A_314 = arith.constant 0 : i32
        %dma_wait3A_315 = arith.constant 0 : i32
        %dma_wait3A_316 = tpu.memref_slice %arg20[%dma_wait3A_314, %dma_wait3A_315] : memref<10000x128xf32, #tpu.memory_space<vmem_shared>> -> memref<10000x128xf32, #tpu.memory_space<vmem_shared>>
        tpu.wait_indirect_dma semaphore(%run_scoped3A : memref<!tpu.dma_semaphore, #tpu.memory_space<semaphore_mem>>) src(%arg14 : memref<80x128xf32, #tpu.memory_space<vmem>>) dst(%dma_wait3A_316 : memref<10000x128xf32, #tpu.memory_space<vmem_shared>>)
        tpu.yield
      }) : () -> ()
      "tpu.region"() ({
        %run_scoped3A = tpu.sem_alloc : memref<!tpu.dma_semaphore, #tpu.memory_space<semaphore_mem>>
        %dma_start3A_311 = arith.constant 0 : i32
        %dma_start3A_312 = tpu.memref_slice %arg21[%dma_start3A_311] : memref<10000xf32, #tpu.memory_space<vmem_shared>> -> memref<10000xf32, #tpu.memory_space<vmem_shared>>
        tpu.enqueue_indirect_dma source(%arg15 : memref<80xf32, #tpu.memory_space<vmem>>) target(%dma_start3A_312 : memref<10000xf32, #tpu.memory_space<vmem_shared>>) offsets(%arg13 : memref<80xi32, #tpu.memory_space<vmem>>) semaphore(%run_scoped3A : memref<!tpu.dma_semaphore, #tpu.memory_space<semaphore_mem>>) {add = true}
        %dma_wait3A_313 = arith.constant 0 : i32
        %dma_wait3A_314 = tpu.memref_slice %arg21[%dma_wait3A_313] : memref<10000xf32, #tpu.memory_space<vmem_shared>> -> memref<10000xf32, #tpu.memory_space<vmem_shared>>
        tpu.wait_indirect_dma semaphore(%run_scoped3A : memref<!tpu.dma_semaphore, #tpu.memory_space<semaphore_mem>>) src(%arg15 : memref<80xf32, #tpu.memory_space<vmem>>) dst(%dma_wait3A_314 : memref<10000xf32, #tpu.memory_space<vmem_shared>>)
        tpu.yield
      }) : () -> ()
      "tpu.region"() ({
        %run_scoped3A = tpu.sem_alloc : memref<!tpu.dma_semaphore, #tpu.memory_space<semaphore_mem>>
        %dma_start3A_311 = arith.constant 0 : i32
        %dma_start3A_312 = tpu.memref_slice %arg22[%dma_start3A_311] : memref<10000xf32, #tpu.memory_space<vmem_shared>> -> memref<10000xf32, #tpu.memory_space<vmem_shared>>
        tpu.enqueue_indirect_dma source(%arg16 : memref<80xf32, #tpu.memory_space<vmem>>) target(%dma_start3A_312 : memref<10000xf32, #tpu.memory_space<vmem_shared>>) offsets(%arg13 : memref<80xi32, #tpu.memory_space<vmem>>) semaphore(%run_scoped3A : memref<!tpu.dma_semaphore, #tpu.memory_space<semaphore_mem>>) {add = true}
        %dma_wait3A_313 = arith.constant 0 : i32
        %dma_wait3A_314 = tpu.memref_slice %arg22[%dma_wait3A_313] : memref<10000xf32, #tpu.memory_space<vmem_shared>> -> memref<10000xf32, #tpu.memory_space<vmem_shared>>
        tpu.wait_indirect_dma semaphore(%run_scoped3A : memref<!tpu.dma_semaphore, #tpu.memory_space<semaphore_mem>>) src(%arg16 : memref<80xf32, #tpu.memory_space<vmem>>) dst(%dma_wait3A_314 : memref<10000xf32, #tpu.memory_space<vmem_shared>>)
        tpu.yield
      }) : () -> ()
      "tpu.region"() ({
        %run_scoped3A = tpu.sem_alloc : memref<!tpu.dma_semaphore, #tpu.memory_space<semaphore_mem>>
        %dma_start3A_311 = arith.constant 0 : i32
        %dma_start3A_312 = tpu.memref_slice %arg23[%dma_start3A_311] : memref<10000xf32, #tpu.memory_space<vmem_shared>> -> memref<10000xf32, #tpu.memory_space<vmem_shared>>
        tpu.enqueue_indirect_dma source(%arg17 : memref<80xf32, #tpu.memory_space<vmem>>) target(%dma_start3A_312 : memref<10000xf32, #tpu.memory_space<vmem_shared>>) offsets(%arg13 : memref<80xi32, #tpu.memory_space<vmem>>) semaphore(%run_scoped3A : memref<!tpu.dma_semaphore, #tpu.memory_space<semaphore_mem>>) {add = true}
        %dma_wait3A_313 = arith.constant 0 : i32
        %dma_wait3A_314 = tpu.memref_slice %arg23[%dma_wait3A_313] : memref<10000xf32, #tpu.memory_space<vmem_shared>> -> memref<10000xf32, #tpu.memory_space<vmem_shared>>
        tpu.wait_indirect_dma semaphore(%run_scoped3A : memref<!tpu.dma_semaphore, #tpu.memory_space<semaphore_mem>>) src(%arg17 : memref<80xf32, #tpu.memory_space<vmem>>) dst(%dma_wait3A_314 : memref<10000xf32, #tpu.memory_space<vmem_shared>>)
        tpu.yield
      }) : () -> ()
      "tpu.region"() ({
        %run_scoped3A = tpu.sem_alloc : memref<!tpu.dma_semaphore, #tpu.memory_space<semaphore_mem>>
        %dma_start3A_311 = arith.constant 0 : i32
        %dma_start3A_312 = tpu.memref_slice %arg24[%dma_start3A_311] : memref<10000xf32, #tpu.memory_space<vmem_shared>> -> memref<10000xf32, #tpu.memory_space<vmem_shared>>
        tpu.enqueue_indirect_dma source(%arg18 : memref<80xf32, #tpu.memory_space<vmem>>) target(%dma_start3A_312 : memref<10000xf32, #tpu.memory_space<vmem_shared>>) offsets(%arg13 : memref<80xi32, #tpu.memory_space<vmem>>) semaphore(%run_scoped3A : memref<!tpu.dma_semaphore, #tpu.memory_space<semaphore_mem>>) {add = true}
        %dma_wait3A_313 = arith.constant 0 : i32
        %dma_wait3A_314 = tpu.memref_slice %arg24[%dma_wait3A_313] : memref<10000xf32, #tpu.memory_space<vmem_shared>> -> memref<10000xf32, #tpu.memory_space<vmem_shared>>
        tpu.wait_indirect_dma semaphore(%run_scoped3A : memref<!tpu.dma_semaphore, #tpu.memory_space<semaphore_mem>>) src(%arg18 : memref<80xf32, #tpu.memory_space<vmem>>) dst(%dma_wait3A_314 : memref<10000xf32, #tpu.memory_space<vmem_shared>>)
        tpu.yield
      }) : () -> ()
    }
    %scan3A_275 = arith.constant 125 : i32
    %barrier3A_276 = arith.constant 0 : index
    tpu.barrier barrier_id(%barrier3A_276)
    %mul3A_277 = arith.constant 10000 : i32
    %mul3A_278 = arith.muli %arg0, %mul3A_277 : i32
    %mul3A_279 = arith.constant 625 : i32
    %mul3A_280 = arith.muli %arg1, %mul3A_279 : i32
    %add3A_281 = arith.addi %mul3A_278, %mul3A_280 : i32
    "tpu.region"() ({
      %run_scoped3A = tpu.sem_alloc : memref<!tpu.dma_semaphore, #tpu.memory_space<semaphore_mem>>
      %dma_start3A = arith.constant 0 : i32
      %dma_start3A_287 = tpu.memref_slice %arg8[%add3A_281, %dma_start3A] : memref<20000x128xf32, #tpu.memory_space<hbm>> -> memref<625x128xf32, #tpu.memory_space<hbm>>
      %dma_start3A_288 = arith.constant 0 : i32
      %dma_start3A_289 = tpu.memref_slice %arg20[%mul3A_2, %dma_start3A_288] : memref<10000x128xf32, #tpu.memory_space<vmem_shared>> -> memref<625x128xf32, #tpu.memory_space<vmem_shared>>
      tpu.enqueue_dma source(%dma_start3A_289 : memref<625x128xf32, #tpu.memory_space<vmem_shared>>) target(%dma_start3A_287 : memref<625x128xf32, #tpu.memory_space<hbm>>) target_semaphore(%run_scoped3A : memref<!tpu.dma_semaphore, #tpu.memory_space<semaphore_mem>>)
      %dma_wait3A = arith.constant 0 : i32
      %dma_wait3A_290 = tpu.memref_slice %arg8[%add3A_281, %dma_wait3A] : memref<20000x128xf32, #tpu.memory_space<hbm>> -> memref<625x128xf32, #tpu.memory_space<hbm>>
      %dma_wait3A_291 = arith.constant 0 : i32
      %dma_wait3A_292 = tpu.memref_slice %arg20[%mul3A_2, %dma_wait3A_291] : memref<10000x128xf32, #tpu.memory_space<vmem_shared>> -> memref<625x128xf32, #tpu.memory_space<vmem_shared>>
      tpu.wait_dma2 semaphore(%run_scoped3A : memref<!tpu.dma_semaphore, #tpu.memory_space<semaphore_mem>>) src(%dma_wait3A_292 : memref<625x128xf32, #tpu.memory_space<vmem_shared>>) dst(%dma_wait3A_290 : memref<625x128xf32, #tpu.memory_space<hbm>>)
      tpu.yield
    }) : () -> ()
    %lt3A_282 = arith.constant 10 : i32
    %lt3A_283 = arith.cmpi slt, %arg1, %lt3A_282 : i32
    %convert_element_type3A_284 = arith.extui %lt3A_283 : i1 to i32
    %cond3A_285 = arith.constant 0 : i32
    %cond3A_286 = arith.cmpi ne, %convert_element_type3A_284, %cond3A_285 : i32
    scf.if %cond3A_286 {
      %mul3A_287 = arith.constant 1000 : i32
      %mul3A_288 = arith.muli %arg1, %mul3A_287 : i32
      %mul3A_289 = arith.constant 10000 : i32
      %mul3A_290 = arith.muli %arg0, %mul3A_289 : i32
      %mul3A_291 = arith.constant 1000 : i32
      %mul3A_292 = arith.muli %arg1, %mul3A_291 : i32
      %add3A_293 = arith.addi %mul3A_290, %mul3A_292 : i32
      "tpu.region"() ({
        %run_scoped3A = tpu.sem_alloc : memref<!tpu.dma_semaphore, #tpu.memory_space<semaphore_mem>>
        %dma_start3A = tpu.memref_slice %arg9[%add3A_293] : memref<20000xf32, #tpu.memory_space<hbm>> -> memref<1000xf32, #tpu.memory_space<hbm>>
        %dma_start3A_294 = tpu.memref_slice %arg21[%mul3A_288] : memref<10000xf32, #tpu.memory_space<vmem_shared>> -> memref<1000xf32, #tpu.memory_space<vmem_shared>>
        tpu.enqueue_dma source(%dma_start3A_294 : memref<1000xf32, #tpu.memory_space<vmem_shared>>) target(%dma_start3A : memref<1000xf32, #tpu.memory_space<hbm>>) target_semaphore(%run_scoped3A : memref<!tpu.dma_semaphore, #tpu.memory_space<semaphore_mem>>)
        %dma_wait3A = tpu.memref_slice %arg9[%add3A_293] : memref<20000xf32, #tpu.memory_space<hbm>> -> memref<1000xf32, #tpu.memory_space<hbm>>
        %dma_wait3A_295 = tpu.memref_slice %arg21[%mul3A_288] : memref<10000xf32, #tpu.memory_space<vmem_shared>> -> memref<1000xf32, #tpu.memory_space<vmem_shared>>
        tpu.wait_dma2 semaphore(%run_scoped3A : memref<!tpu.dma_semaphore, #tpu.memory_space<semaphore_mem>>) src(%dma_wait3A_295 : memref<1000xf32, #tpu.memory_space<vmem_shared>>) dst(%dma_wait3A : memref<1000xf32, #tpu.memory_space<hbm>>)
        tpu.yield
      }) : () -> ()
      "tpu.region"() ({
        %run_scoped3A = tpu.sem_alloc : memref<!tpu.dma_semaphore, #tpu.memory_space<semaphore_mem>>
        %dma_start3A = tpu.memref_slice %arg10[%add3A_293] : memref<20000xf32, #tpu.memory_space<hbm>> -> memref<1000xf32, #tpu.memory_space<hbm>>
        %dma_start3A_294 = tpu.memref_slice %arg22[%mul3A_288] : memref<10000xf32, #tpu.memory_space<vmem_shared>> -> memref<1000xf32, #tpu.memory_space<vmem_shared>>
        tpu.enqueue_dma source(%dma_start3A_294 : memref<1000xf32, #tpu.memory_space<vmem_shared>>) target(%dma_start3A : memref<1000xf32, #tpu.memory_space<hbm>>) target_semaphore(%run_scoped3A : memref<!tpu.dma_semaphore, #tpu.memory_space<semaphore_mem>>)
        %dma_wait3A = tpu.memref_slice %arg10[%add3A_293] : memref<20000xf32, #tpu.memory_space<hbm>> -> memref<1000xf32, #tpu.memory_space<hbm>>
        %dma_wait3A_295 = tpu.memref_slice %arg22[%mul3A_288] : memref<10000xf32, #tpu.memory_space<vmem_shared>> -> memref<1000xf32, #tpu.memory_space<vmem_shared>>
        tpu.wait_dma2 semaphore(%run_scoped3A : memref<!tpu.dma_semaphore, #tpu.memory_space<semaphore_mem>>) src(%dma_wait3A_295 : memref<1000xf32, #tpu.memory_space<vmem_shared>>) dst(%dma_wait3A : memref<1000xf32, #tpu.memory_space<hbm>>)
        tpu.yield
      }) : () -> ()
      "tpu.region"() ({
        %run_scoped3A = tpu.sem_alloc : memref<!tpu.dma_semaphore, #tpu.memory_space<semaphore_mem>>
        %dma_start3A = tpu.memref_slice %arg11[%add3A_293] : memref<20000xf32, #tpu.memory_space<hbm>> -> memref<1000xf32, #tpu.memory_space<hbm>>
        %dma_start3A_294 = tpu.memref_slice %arg23[%mul3A_288] : memref<10000xf32, #tpu.memory_space<vmem_shared>> -> memref<1000xf32, #tpu.memory_space<vmem_shared>>
        tpu.enqueue_dma source(%dma_start3A_294 : memref<1000xf32, #tpu.memory_space<vmem_shared>>) target(%dma_start3A : memref<1000xf32, #tpu.memory_space<hbm>>) target_semaphore(%run_scoped3A : memref<!tpu.dma_semaphore, #tpu.memory_space<semaphore_mem>>)
        %dma_wait3A = tpu.memref_slice %arg11[%add3A_293] : memref<20000xf32, #tpu.memory_space<hbm>> -> memref<1000xf32, #tpu.memory_space<hbm>>
        %dma_wait3A_295 = tpu.memref_slice %arg23[%mul3A_288] : memref<10000xf32, #tpu.memory_space<vmem_shared>> -> memref<1000xf32, #tpu.memory_space<vmem_shared>>
        tpu.wait_dma2 semaphore(%run_scoped3A : memref<!tpu.dma_semaphore, #tpu.memory_space<semaphore_mem>>) src(%dma_wait3A_295 : memref<1000xf32, #tpu.memory_space<vmem_shared>>) dst(%dma_wait3A : memref<1000xf32, #tpu.memory_space<hbm>>)
        tpu.yield
      }) : () -> ()
      "tpu.region"() ({
        %run_scoped3A = tpu.sem_alloc : memref<!tpu.dma_semaphore, #tpu.memory_space<semaphore_mem>>
        %dma_start3A = tpu.memref_slice %arg12[%add3A_293] : memref<20000xf32, #tpu.memory_space<hbm>> -> memref<1000xf32, #tpu.memory_space<hbm>>
        %dma_start3A_294 = tpu.memref_slice %arg24[%mul3A_288] : memref<10000xf32, #tpu.memory_space<vmem_shared>> -> memref<1000xf32, #tpu.memory_space<vmem_shared>>
        tpu.enqueue_dma source(%dma_start3A_294 : memref<1000xf32, #tpu.memory_space<vmem_shared>>) target(%dma_start3A : memref<1000xf32, #tpu.memory_space<hbm>>) target_semaphore(%run_scoped3A : memref<!tpu.dma_semaphore, #tpu.memory_space<semaphore_mem>>)
        %dma_wait3A = tpu.memref_slice %arg12[%add3A_293] : memref<20000xf32, #tpu.memory_space<hbm>> -> memref<1000xf32, #tpu.memory_space<hbm>>
        %dma_wait3A_295 = tpu.memref_slice %arg24[%mul3A_288] : memref<10000xf32, #tpu.memory_space<vmem_shared>> -> memref<1000xf32, #tpu.memory_space<vmem_shared>>
        tpu.wait_dma2 semaphore(%run_scoped3A : memref<!tpu.dma_semaphore, #tpu.memory_space<semaphore_mem>>) src(%dma_wait3A_295 : memref<1000xf32, #tpu.memory_space<vmem_shared>>) dst(%dma_wait3A : memref<1000xf32, #tpu.memory_space<hbm>>)
        tpu.yield
      }) : () -> ()
    } else {
    }
    return
  }
}

module attributes {stable_mosaic.version = 14 : i64} {
  func.func @_edge_mlp_body(%arg0: i32, %arg1: memref<2000x128xf32, #tpu.memory_space<vmem>>, %arg2: memref<2000x128xf32, #tpu.memory_space<vmem>>, %arg3: memref<2000x1xf32, #tpu.memory_space<vmem>>, %arg4: memref<2000x1xf32, #tpu.memory_space<vmem>>, %arg5: memref<2000x1xf32, #tpu.memory_space<vmem>>, %arg6: memref<128x256xf32, #tpu.memory_space<vmem>>, %arg7: memref<128x256xf32, #tpu.memory_space<vmem>>, %arg8: memref<1x256xf32, #tpu.memory_space<vmem>>, %arg9: memref<1x256xf32, #tpu.memory_space<vmem>>, %arg10: memref<256x128xf32, #tpu.memory_space<vmem>>, %arg11: memref<1x128xf32, #tpu.memory_space<vmem>>, %arg12: memref<2000x128xf32, #tpu.memory_space<vmem>>, %arg13: memref<2000x1xf32, #tpu.memory_space<vmem>>) attributes {dimension_semantics = [#tpu.dimension_semantics<arbitrary>], iteration_bounds = array<i64: 160>, scalar_prefetch = 0 : i64, scratch_operands = 0 : i64, tpu.core_type = #tpu.core_type<tc>, window_params = [{transform_indices = @transform_0, window_bounds = array<i64: 2000, 128>}, {transform_indices = @transform_1, window_bounds = array<i64: 2000, 128>}, {transform_indices = @transform_2, window_bounds = array<i64: 2000, 1>}, {transform_indices = @transform_3, window_bounds = array<i64: 2000, 1>}, {transform_indices = @transform_4, window_bounds = array<i64: 2000, 1>}, {pipeline_mode = #tpu.pipeline_mode<synchronous>, transform_indices = @transform_5, window_bounds = array<i64: 128, 256>}, {pipeline_mode = #tpu.pipeline_mode<synchronous>, transform_indices = @transform_6, window_bounds = array<i64: 128, 256>}, {pipeline_mode = #tpu.pipeline_mode<synchronous>, transform_indices = @transform_7, window_bounds = array<i64: 1, 256>}, {pipeline_mode = #tpu.pipeline_mode<synchronous>, transform_indices = @transform_8, window_bounds = array<i64: 1, 256>}, {pipeline_mode = #tpu.pipeline_mode<synchronous>, transform_indices = @transform_9, window_bounds = array<i64: 256, 128>}, {pipeline_mode = #tpu.pipeline_mode<synchronous>, transform_indices = @transform_10, window_bounds = array<i64: 1, 128>}, {transform_indices = @transform_11, window_bounds = array<i64: 2000, 128>}, {transform_indices = @transform_12, window_bounds = array<i64: 2000, 1>}]} {
    %get3A = arith.constant 0 : index
    %get3A_0 = arith.constant 0 : index
    %get3A_1 = vector.load %arg3[%get3A, %get3A_0] : memref<2000x1xf32, #tpu.memory_space<vmem>>, vector<2000x1xf32>
    %get3A_2 = arith.constant 0 : index
    %get3A_3 = arith.constant 0 : index
    %get3A_4 = vector.load %arg4[%get3A_2, %get3A_3] : memref<2000x1xf32, #tpu.memory_space<vmem>>, vector<2000x1xf32>
    %get3A_5 = arith.constant 0 : index
    %get3A_6 = arith.constant 0 : index
    %get3A_7 = vector.load %arg5[%get3A_5, %get3A_6] : memref<2000x1xf32, #tpu.memory_space<vmem>>, vector<2000x1xf32>
    %mul3A = arith.mulf %get3A_1, %get3A_1 : vector<2000x1xf32>
    %mul3A_8 = arith.mulf %get3A_4, %get3A_4 : vector<2000x1xf32>
    %add3A = arith.addf %mul3A, %mul3A_8 : vector<2000x1xf32>
    %mul3A_9 = arith.mulf %get3A_7, %get3A_7 : vector<2000x1xf32>
    %add3A_10 = arith.addf %add3A, %mul3A_9 : vector<2000x1xf32>
    %add3A_11 = arith.constant 9.99999996E-13 : f32
    %add3A_12 = vector.broadcast %add3A_11 : f32 to vector<2000x1xf32>
    %add3A_13 = arith.addf %add3A_10, %add3A_12 : vector<2000x1xf32>
    %sqrt3A = math.sqrt %add3A_13 : vector<2000x1xf32>
    %get3A_14 = arith.constant 0 : index
    %get3A_15 = arith.constant 0 : index
    %get3A_16 = vector.load %arg1[%get3A_14, %get3A_15] : memref<2000x128xf32, #tpu.memory_space<vmem>>, vector<2000x128xf32>
    %get3A_17 = arith.constant 0 : index
    %get3A_18 = arith.constant 0 : index
    %get3A_19 = vector.load %arg6[%get3A_17, %get3A_18] : memref<128x256xf32, #tpu.memory_space<vmem>>, vector<128x256xf32>
    %dot_general3A = arith.constant dense<0.000000e+00> : vector<2000x256xf32>
    %dot_general3A_20 = tpu.matmul %get3A_16, %get3A_19, %dot_general3A {dimension_numbers = #tpu.dot_dimension_numbers<[1], [0], [0], [1], [0, 0, 1, 1], [], []>, transpose_lhs_hint = false} : vector<2000x128xf32>, vector<128x256xf32>, vector<2000x256xf32> -> vector<2000x256xf32>
    %get3A_21 = arith.constant 0 : index
    %get3A_22 = arith.constant 0 : index
    %get3A_23 = vector.load %arg2[%get3A_21, %get3A_22] : memref<2000x128xf32, #tpu.memory_space<vmem>>, vector<2000x128xf32>
    %get3A_24 = arith.constant 0 : index
    %get3A_25 = arith.constant 0 : index
    %get3A_26 = vector.load %arg7[%get3A_24, %get3A_25] : memref<128x256xf32, #tpu.memory_space<vmem>>, vector<128x256xf32>
    %dot_general3A_27 = arith.constant dense<0.000000e+00> : vector<2000x256xf32>
    %dot_general3A_28 = tpu.matmul %get3A_23, %get3A_26, %dot_general3A_27 {dimension_numbers = #tpu.dot_dimension_numbers<[1], [0], [0], [1], [0, 0, 1, 1], [], []>, transpose_lhs_hint = false} : vector<2000x128xf32>, vector<128x256xf32>, vector<2000x256xf32> -> vector<2000x256xf32>
    %add3A_29 = arith.addf %dot_general3A_20, %dot_general3A_28 : vector<2000x256xf32>
    %get3A_30 = arith.constant 0 : index
    %get3A_31 = arith.constant 0 : index
    %get3A_32 = vector.load %arg8[%get3A_30, %get3A_31] : memref<1x256xf32, #tpu.memory_space<vmem>>, vector<1x256xf32>
    %mul3A_33 = vector.broadcast %sqrt3A : vector<2000x1xf32> to vector<2000x256xf32>
    %mul3A_34 = vector.broadcast %get3A_32 : vector<1x256xf32> to vector<2000x256xf32>
    %mul3A_35 = arith.mulf %mul3A_33, %mul3A_34 : vector<2000x256xf32>
    %get3A_36 = arith.constant 0 : index
    %get3A_37 = arith.constant 0 : index
    %get3A_38 = vector.load %arg9[%get3A_36, %get3A_37] : memref<1x256xf32, #tpu.memory_space<vmem>>, vector<1x256xf32>
    %add3A_39 = vector.broadcast %get3A_38 : vector<1x256xf32> to vector<2000x256xf32>
    %add3A_40 = arith.addf %mul3A_35, %add3A_39 : vector<2000x256xf32>
    %add3A_41 = arith.addf %add3A_29, %add3A_40 : vector<2000x256xf32>
    %max3A = arith.constant 0.000000e+00 : f32
    %max3A_42 = vector.broadcast %max3A : f32 to vector<2000x256xf32>
    %max3A_43 = arith.maximumf %add3A_41, %max3A_42 : vector<2000x256xf32>
    %get3A_44 = arith.constant 0 : index
    %get3A_45 = arith.constant 0 : index
    %get3A_46 = vector.load %arg10[%get3A_44, %get3A_45] : memref<256x128xf32, #tpu.memory_space<vmem>>, vector<256x128xf32>
    %dot_general3A_47 = arith.constant dense<0.000000e+00> : vector<2000x128xf32>
    %dot_general3A_48 = tpu.matmul %max3A_43, %get3A_46, %dot_general3A_47 {dimension_numbers = #tpu.dot_dimension_numbers<[1], [0], [0], [1], [0, 0, 1, 1], [], []>, transpose_lhs_hint = false} : vector<2000x256xf32>, vector<256x128xf32>, vector<2000x128xf32> -> vector<2000x128xf32>
    %get3A_49 = arith.constant 0 : index
    %get3A_50 = arith.constant 0 : index
    %get3A_51 = vector.load %arg11[%get3A_49, %get3A_50] : memref<1x128xf32, #tpu.memory_space<vmem>>, vector<1x128xf32>
    %add3A_52 = vector.broadcast %get3A_51 : vector<1x128xf32> to vector<2000x128xf32>
    %add3A_53 = arith.addf %dot_general3A_48, %add3A_52 : vector<2000x128xf32>
    %swap3A = arith.constant 0 : index
    %swap3A_54 = arith.constant 0 : index
    %swap3A_55 = vector.load %arg12[%swap3A, %swap3A_54] : memref<2000x128xf32, #tpu.memory_space<vmem>>, vector<2000x128xf32>
    tpu.vector_store %arg12[%swap3A, %swap3A_54], %add3A_53 {strides = array<i32>} : memref<2000x128xf32, #tpu.memory_space<vmem>>, vector<2000x128xf32>,
    %mul3A_56 = arith.mulf %add3A_53, %add3A_53 : vector<2000x128xf32>
    %reduce_sum3A = arith.constant dense<0.000000e+00> : vector<2000xf32>
    %reduce_sum3A_57 = vector.multi_reduction <add>, %mul3A_56, %reduce_sum3A [1] : vector<2000x128xf32> to vector<2000xf32>
    %broadcast_in_dim3A = vector.shape_cast %reduce_sum3A_57 : vector<2000xf32> to vector<2000x1xf32>
    %add3A_58 = arith.constant 9.99999996E-13 : f32
    %add3A_59 = vector.broadcast %add3A_58 : f32 to vector<2000x1xf32>
    %add3A_60 = arith.addf %broadcast_in_dim3A, %add3A_59 : vector<2000x1xf32>
    %sqrt3A_61 = math.sqrt %add3A_60 : vector<2000x1xf32>
    %tanh3A = math.tanh %sqrt3A_61 : vector<2000x1xf32>
    %swap3A_62 = arith.constant 0 : index
    %swap3A_63 = arith.constant 0 : index
    %swap3A_64 = vector.load %arg13[%swap3A_62, %swap3A_63] : memref<2000x1xf32, #tpu.memory_space<vmem>>, vector<2000x1xf32>
    tpu.vector_store %arg13[%swap3A_62, %swap3A_63], %tanh3A {strides = array<i32>} : memref<2000x1xf32, #tpu.memory_space<vmem>>, vector<2000x1xf32>,
    return
  }
  func.func @transform_0(%arg0: i32) -> (i32, i32) {
    %c0_i32 = arith.constant 0 : i32
    %c0_i32_0 = arith.constant 0 : i32
    return %arg0, %c0_i32 : i32, i32
  }
  func.func @transform_1(%arg0: i32) -> (i32, i32) {
    %c0_i32 = arith.constant 0 : i32
    %c0_i32_0 = arith.constant 0 : i32
    return %arg0, %c0_i32 : i32, i32
  }
  func.func @transform_2(%arg0: i32) -> (i32, i32) {
    %c0_i32 = arith.constant 0 : i32
    %c0_i32_0 = arith.constant 0 : i32
    return %arg0, %c0_i32 : i32, i32
  }
  func.func @transform_3(%arg0: i32) -> (i32, i32) {
    %c0_i32 = arith.constant 0 : i32
    %c0_i32_0 = arith.constant 0 : i32
    return %arg0, %c0_i32 : i32, i32
  }
  func.func @transform_4(%arg0: i32) -> (i32, i32) {
    %c0_i32 = arith.constant 0 : i32
    %c0_i32_0 = arith.constant 0 : i32
    return %arg0, %c0_i32 : i32, i32
  }
  func.func @transform_5(%arg0: i32) -> (i32, i32) {
    %c0_i32 = arith.constant 0 : i32
    %c0_i32_0 = arith.constant 0 : i32
    %c0_i32_1 = arith.constant 0 : i32
    return %c0_i32, %c0_i32_0 : i32, i32
  }
  func.func @transform_6(%arg0: i32) -> (i32, i32) {
    %c0_i32 = arith.constant 0 : i32
    %c0_i32_0 = arith.constant 0 : i32
    %c0_i32_1 = arith.constant 0 : i32
    return %c0_i32, %c0_i32_0 : i32, i32
  }
  func.func @transform_7(%arg0: i32) -> (i32, i32) {
    %c0_i32 = arith.constant 0 : i32
    %c0_i32_0 = arith.constant 0 : i32
    %c0_i32_1 = arith.constant 0 : i32
    return %c0_i32, %c0_i32_0 : i32, i32
  }
  func.func @transform_8(%arg0: i32) -> (i32, i32) {
    %c0_i32 = arith.constant 0 : i32
    %c0_i32_0 = arith.constant 0 : i32
    %c0_i32_1 = arith.constant 0 : i32
    return %c0_i32, %c0_i32_0 : i32, i32
  }
  func.func @transform_9(%arg0: i32) -> (i32, i32) {
    %c0_i32 = arith.constant 0 : i32
    %c0_i32_0 = arith.constant 0 : i32
    %c0_i32_1 = arith.constant 0 : i32
    return %c0_i32, %c0_i32_0 : i32, i32
  }
  func.func @transform_10(%arg0: i32) -> (i32, i32) {
    %c0_i32 = arith.constant 0 : i32
    %c0_i32_0 = arith.constant 0 : i32
    %c0_i32_1 = arith.constant 0 : i32
    return %c0_i32, %c0_i32_0 : i32, i32
  }
  func.func @transform_11(%arg0: i32) -> (i32, i32) {
    %c0_i32 = arith.constant 0 : i32
    %c0_i32_0 = arith.constant 0 : i32
    return %arg0, %c0_i32 : i32, i32
  }
  func.func @transform_12(%arg0: i32) -> (i32, i32) {
    %c0_i32 = arith.constant 0 : i32
    %c0_i32_0 = arith.constant 0 : i32
    return %arg0, %c0_i32 : i32, i32
  }
}

module attributes {stable_mosaic.version = 14 : i64} {
  func.func @_node_update_body(%arg0: i32, %arg1: memref<2000x128xf32, #tpu.memory_space<vmem>>, %arg2: memref<2000x3xf32, #tpu.memory_space<vmem>>, %arg3: memref<2000x128xf32, #tpu.memory_space<vmem>>, %arg4: memref<2000x1xf32, #tpu.memory_space<vmem>>, %arg5: memref<2000x1xf32, #tpu.memory_space<vmem>>, %arg6: memref<2000x1xf32, #tpu.memory_space<vmem>>, %arg7: memref<2000x1xf32, #tpu.memory_space<vmem>>, %arg8: memref<128x256xf32, #tpu.memory_space<vmem>>, %arg9: memref<128x256xf32, #tpu.memory_space<vmem>>, %arg10: memref<1x256xf32, #tpu.memory_space<vmem>>, %arg11: memref<256x128xf32, #tpu.memory_space<vmem>>, %arg12: memref<1x128xf32, #tpu.memory_space<vmem>>, %arg13: memref<2000x128xf32, #tpu.memory_space<vmem>>, %arg14: memref<2000x3xf32, #tpu.memory_space<vmem>>) attributes {dimension_semantics = [#tpu.dimension_semantics<arbitrary>], iteration_bounds = array<i64: 5>, scalar_prefetch = 0 : i64, scratch_operands = 0 : i64, tpu.core_type = #tpu.core_type<tc>, window_params = [{transform_indices = @transform_0, window_bounds = array<i64: 2000, 128>}, {transform_indices = @transform_1, window_bounds = array<i64: 2000, 3>}, {transform_indices = @transform_2, window_bounds = array<i64: 2000, 128>}, {transform_indices = @transform_3, window_bounds = array<i64: 2000, 1>}, {transform_indices = @transform_4, window_bounds = array<i64: 2000, 1>}, {transform_indices = @transform_5, window_bounds = array<i64: 2000, 1>}, {transform_indices = @transform_6, window_bounds = array<i64: 2000, 1>}, {pipeline_mode = #tpu.pipeline_mode<synchronous>, transform_indices = @transform_7, window_bounds = array<i64: 128, 256>}, {pipeline_mode = #tpu.pipeline_mode<synchronous>, transform_indices = @transform_8, window_bounds = array<i64: 128, 256>}, {pipeline_mode = #tpu.pipeline_mode<synchronous>, transform_indices = @transform_9, window_bounds = array<i64: 1, 256>}, {pipeline_mode = #tpu.pipeline_mode<synchronous>, transform_indices = @transform_10, window_bounds = array<i64: 256, 128>}, {pipeline_mode = #tpu.pipeline_mode<synchronous>, transform_indices = @transform_11, window_bounds = array<i64: 1, 128>}, {transform_indices = @transform_12, window_bounds = array<i64: 2000, 128>}, {transform_indices = @transform_13, window_bounds = array<i64: 2000, 3>}]} {
    %get3A = arith.constant 0 : index
    %get3A_0 = arith.constant 0 : index
    %get3A_1 = vector.load %arg1[%get3A, %get3A_0] : memref<2000x128xf32, #tpu.memory_space<vmem>>, vector<2000x128xf32>
    %get3A_2 = arith.constant 0 : index
    %get3A_3 = arith.constant 0 : index
    %get3A_4 = vector.load %arg8[%get3A_2, %get3A_3] : memref<128x256xf32, #tpu.memory_space<vmem>>, vector<128x256xf32>
    %dot_general3A = arith.constant dense<0.000000e+00> : vector<2000x256xf32>
    %dot_general3A_5 = tpu.matmul %get3A_1, %get3A_4, %dot_general3A {dimension_numbers = #tpu.dot_dimension_numbers<[1], [0], [0], [1], [0, 0, 1, 1], [], []>, transpose_lhs_hint = false} : vector<2000x128xf32>, vector<128x256xf32>, vector<2000x256xf32> -> vector<2000x256xf32>
    %get3A_6 = arith.constant 0 : index
    %get3A_7 = arith.constant 0 : index
    %get3A_8 = vector.load %arg3[%get3A_6, %get3A_7] : memref<2000x128xf32, #tpu.memory_space<vmem>>, vector<2000x128xf32>
    %get3A_9 = arith.constant 0 : index
    %get3A_10 = arith.constant 0 : index
    %get3A_11 = vector.load %arg9[%get3A_9, %get3A_10] : memref<128x256xf32, #tpu.memory_space<vmem>>, vector<128x256xf32>
    %dot_general3A_12 = arith.constant dense<0.000000e+00> : vector<2000x256xf32>
    %dot_general3A_13 = tpu.matmul %get3A_8, %get3A_11, %dot_general3A_12 {dimension_numbers = #tpu.dot_dimension_numbers<[1], [0], [0], [1], [0, 0, 1, 1], [], []>, transpose_lhs_hint = false} : vector<2000x128xf32>, vector<128x256xf32>, vector<2000x256xf32> -> vector<2000x256xf32>
    %add3A = arith.addf %dot_general3A_5, %dot_general3A_13 : vector<2000x256xf32>
    %get3A_14 = arith.constant 0 : index
    %get3A_15 = arith.constant 0 : index
    %get3A_16 = vector.load %arg10[%get3A_14, %get3A_15] : memref<1x256xf32, #tpu.memory_space<vmem>>, vector<1x256xf32>
    %add3A_17 = vector.broadcast %get3A_16 : vector<1x256xf32> to vector<2000x256xf32>
    %add3A_18 = arith.addf %add3A, %add3A_17 : vector<2000x256xf32>
    %max3A = arith.constant 0.000000e+00 : f32
    %max3A_19 = vector.broadcast %max3A : f32 to vector<2000x256xf32>
    %max3A_20 = arith.maximumf %add3A_18, %max3A_19 : vector<2000x256xf32>
    %get3A_21 = arith.constant 0 : index
    %get3A_22 = arith.constant 0 : index
    %get3A_23 = vector.load %arg11[%get3A_21, %get3A_22] : memref<256x128xf32, #tpu.memory_space<vmem>>, vector<256x128xf32>
    %dot_general3A_24 = arith.constant dense<0.000000e+00> : vector<2000x128xf32>
    %dot_general3A_25 = tpu.matmul %max3A_20, %get3A_23, %dot_general3A_24 {dimension_numbers = #tpu.dot_dimension_numbers<[1], [0], [0], [1], [0, 0, 1, 1], [], []>, transpose_lhs_hint = false} : vector<2000x256xf32>, vector<256x128xf32>, vector<2000x128xf32> -> vector<2000x128xf32>
    %get3A_26 = arith.constant 0 : index
    %get3A_27 = arith.constant 0 : index
    %get3A_28 = vector.load %arg12[%get3A_26, %get3A_27] : memref<1x128xf32, #tpu.memory_space<vmem>>, vector<1x128xf32>
    %add3A_29 = vector.broadcast %get3A_28 : vector<1x128xf32> to vector<2000x128xf32>
    %add3A_30 = arith.addf %dot_general3A_25, %add3A_29 : vector<2000x128xf32>
    %get3A_31 = arith.constant 0 : index
    %get3A_32 = arith.constant 0 : index
    %get3A_33 = vector.load %arg1[%get3A_31, %get3A_32] : memref<2000x128xf32, #tpu.memory_space<vmem>>, vector<2000x128xf32>
    %add3A_34 = arith.addf %get3A_33, %add3A_30 : vector<2000x128xf32>
    %gt3A = arith.constant 0.000000e+00 : f32
    %gt3A_35 = vector.broadcast %gt3A : f32 to vector<2000x128xf32>
    %gt3A_36 = arith.cmpf ogt, %add3A_34, %gt3A_35 : vector<2000x128xf32>
    %min3A = arith.constant 0.000000e+00 : f32
    %min3A_37 = vector.broadcast %min3A : f32 to vector<2000x128xf32>
    %min3A_38 = arith.minimumf %add3A_34, %min3A_37 : vector<2000x128xf32>
    %exp3A = math.exp %min3A_38 : vector<2000x128xf32>
    %sub3A = arith.constant 1.000000e+00 : f32
    %sub3A_39 = vector.broadcast %sub3A : f32 to vector<2000x128xf32>
    %sub3A_40 = arith.subf %exp3A, %sub3A_39 : vector<2000x128xf32>
    %select_n3A = arith.select %gt3A_36, %add3A_34, %sub3A_40 : vector<2000x128xi1>, vector<2000x128xf32>
    %swap3A = arith.constant 0 : index
    %swap3A_41 = arith.constant 0 : index
    %swap3A_42 = vector.load %arg13[%swap3A, %swap3A_41] : memref<2000x128xf32, #tpu.memory_space<vmem>>, vector<2000x128xf32>
    tpu.vector_store %arg13[%swap3A, %swap3A_41], %select_n3A {strides = array<i32>} : memref<2000x128xf32, #tpu.memory_space<vmem>>, vector<2000x128xf32>,
    %get3A_43 = arith.constant 0 : index
    %get3A_44 = arith.constant 0 : index
    %get3A_45 = vector.load %arg7[%get3A_43, %get3A_44] : memref<2000x1xf32, #tpu.memory_space<vmem>>, vector<2000x1xf32>
    %max3A_46 = arith.constant 1.000000e+00 : f32
    %max3A_47 = vector.broadcast %max3A_46 : f32 to vector<2000x1xf32>
    %max3A_48 = arith.maximumf %get3A_45, %max3A_47 : vector<2000x1xf32>
    %get3A_49 = arith.constant 0 : index
    %get3A_50 = arith.constant 0 : index
    %get3A_51 = vector.load %arg4[%get3A_49, %get3A_50] : memref<2000x1xf32, #tpu.memory_space<vmem>>, vector<2000x1xf32>
    %get3A_52 = arith.constant 0 : index
    %get3A_53 = arith.constant 0 : index
    %get3A_54 = vector.load %arg5[%get3A_52, %get3A_53] : memref<2000x1xf32, #tpu.memory_space<vmem>>, vector<2000x1xf32>
    %get3A_55 = arith.constant 0 : index
    %get3A_56 = arith.constant 0 : index
    %get3A_57 = vector.load %arg6[%get3A_55, %get3A_56] : memref<2000x1xf32, #tpu.memory_space<vmem>>, vector<2000x1xf32>
    %concatenate3A = tpu.concatenate %get3A_51, %get3A_54, %get3A_57 in 1 : vector<2000x1xf32>, vector<2000x1xf32>, vector<2000x1xf32> -> vector<2000x3xf32>
    %get3A_58 = arith.constant 0 : index
    %get3A_59 = arith.constant 0 : index
    %get3A_60 = vector.load %arg2[%get3A_58, %get3A_59] : memref<2000x3xf32, #tpu.memory_space<vmem>>, vector<2000x3xf32>
    %div3A = vector.broadcast %max3A_48 : vector<2000x1xf32> to vector<2000x3xf32>
    %div3A_61 = arith.divf %concatenate3A, %div3A : vector<2000x3xf32>
    %add3A_62 = arith.addf %get3A_60, %div3A_61 : vector<2000x3xf32>
    %swap3A_63 = arith.constant 0 : index
    %swap3A_64 = arith.constant 0 : index
    %swap3A_65 = vector.load %arg14[%swap3A_63, %swap3A_64] : memref<2000x3xf32, #tpu.memory_space<vmem>>, vector<2000x3xf32>
    tpu.vector_store %arg14[%swap3A_63, %swap3A_64], %add3A_62 {strides = array<i32>} : memref<2000x3xf32, #tpu.memory_space<vmem>>, vector<2000x3xf32>,
    return
  }
  func.func @transform_0(%arg0: i32) -> (i32, i32) {
    %c0_i32 = arith.constant 0 : i32
    %c0_i32_0 = arith.constant 0 : i32
    return %arg0, %c0_i32 : i32, i32
  }
  func.func @transform_1(%arg0: i32) -> (i32, i32) {
    %c0_i32 = arith.constant 0 : i32
    %c0_i32_0 = arith.constant 0 : i32
    return %arg0, %c0_i32 : i32, i32
  }
  func.func @transform_2(%arg0: i32) -> (i32, i32) {
    %c0_i32 = arith.constant 0 : i32
    %c0_i32_0 = arith.constant 0 : i32
    return %arg0, %c0_i32 : i32, i32
  }
  func.func @transform_3(%arg0: i32) -> (i32, i32) {
    %c0_i32 = arith.constant 0 : i32
    %c0_i32_0 = arith.constant 0 : i32
    return %arg0, %c0_i32 : i32, i32
  }
  func.func @transform_4(%arg0: i32) -> (i32, i32) {
    %c0_i32 = arith.constant 0 : i32
    %c0_i32_0 = arith.constant 0 : i32
    return %arg0, %c0_i32 : i32, i32
  }
  func.func @transform_5(%arg0: i32) -> (i32, i32) {
    %c0_i32 = arith.constant 0 : i32
    %c0_i32_0 = arith.constant 0 : i32
    return %arg0, %c0_i32 : i32, i32
  }
  func.func @transform_6(%arg0: i32) -> (i32, i32) {
    %c0_i32 = arith.constant 0 : i32
    %c0_i32_0 = arith.constant 0 : i32
    return %arg0, %c0_i32 : i32, i32
  }
  func.func @transform_7(%arg0: i32) -> (i32, i32) {
    %c0_i32 = arith.constant 0 : i32
    %c0_i32_0 = arith.constant 0 : i32
    %c0_i32_1 = arith.constant 0 : i32
    return %c0_i32, %c0_i32_0 : i32, i32
  }
  func.func @transform_8(%arg0: i32) -> (i32, i32) {
    %c0_i32 = arith.constant 0 : i32
    %c0_i32_0 = arith.constant 0 : i32
    %c0_i32_1 = arith.constant 0 : i32
    return %c0_i32, %c0_i32_0 : i32, i32
  }
  func.func @transform_9(%arg0: i32) -> (i32, i32) {
    %c0_i32 = arith.constant 0 : i32
    %c0_i32_0 = arith.constant 0 : i32
    %c0_i32_1 = arith.constant 0 : i32
    return %c0_i32, %c0_i32_0 : i32, i32
  }
  func.func @transform_10(%arg0: i32) -> (i32, i32) {
    %c0_i32 = arith.constant 0 : i32
    %c0_i32_0 = arith.constant 0 : i32
    %c0_i32_1 = arith.constant 0 : i32
    return %c0_i32, %c0_i32_0 : i32, i32
  }
  func.func @transform_11(%arg0: i32) -> (i32, i32) {
    %c0_i32 = arith.constant 0 : i32
    %c0_i32_0 = arith.constant 0 : i32
    %c0_i32_1 = arith.constant 0 : i32
    return %c0_i32, %c0_i32_0 : i32, i32
  }
  func.func @transform_12(%arg0: i32) -> (i32, i32) {
    %c0_i32 = arith.constant 0 : i32
    %c0_i32_0 = arith.constant 0 : i32
    return %arg0, %c0_i32 : i32, i32
  }
  func.func @transform_13(%arg0: i32) -> (i32, i32) {
    %c0_i32 = arith.constant 0 : i32
    %c0_i32_0 = arith.constant 0 : i32
    return %arg0, %c0_i32 : i32, i32
  }
}

</mosaic_0001>

<sc_bundles>
// kernel: kernel.5.cloned.1.call-start
scs
__scs_entry_jumppad:
0x0: {  	(pc) =	sbr.rel $0x88, $3  }
0x1: {  	(tag) =	ssettag $0x0;
	lr =	simm.s32 $0x1  }
0x2: {  	[smem:$0x3F96] =	sst lr;
	_ =	strace $0xD0000000  }
0x3: {  	_ = 	snop  }
0x4: {  	_ = 	snop  }
0x5: {  	_ = 	snop  }
0x6: {  	_ = 	snop  }
0x7: {  	_ = 	snop  }
__scs_overlays_trampoline_lowered:
0x8: {  	[smem:$0x3FA5] =	sst s0  }
0x9: {  	[smem:$0x3FA6] =	sst s1  }
0xa: {  	[smem:$0x3FA7] =	sst s2  }
0xb: {  	[smem:$0x3FA8] =	sst s3  }
0xc: {  	[smem:$0x3FA9] =	sst s4  }
0xd: {  	[smem:$0x3FAA] =	sst s5  }
0xe: {  	[smem:$0x3FAB] =	sst s6  }
0xf: {  	[smem:$0x3FAC] =	sst s7  }
0x10: {  	[smem:$0x3FAD] =	sst s8  }
0x11: {  	[smem:$0x3FAE] =	sst s9;
	s0 =	simm.s32 @!p0 $0x0  }
0x12: {  	s1 =	sld [smem:$0x3F94];
	s0 =	simm.s32 @p0 $0x1  }
0x13: {  	[smem:$0x3FAF] =	sst s0;
	s0 =	simm.s32 @!p1 $0x0  }
0x14: {  	s2 =	sld [smem:$0x3F93];
	s0 =	simm.s32 @p1 $0x1  }
0x15: {  	[smem:$0x3FB0] =	sst s0;
	s0 =	simm.s32 @!p2 $0x0  }
0x16: {  	s3 =	sld [smem:$0x3FDB];
	s0 =	simm.s32 @p2 $0x1  }
0x17: {  	s4 =	simm.s32 $0x1BF5;
	[smem:$0x3FB2] =	sst s0  }
0x18: {  	s0 =	sld [smem:$0x3F95];
	_ =	swait.ge [sflag:s4], $0x0  }
0x19: {  	s7 =	sld [smem:$0x3F96]  }
0x1a: {  	s8 =	sadd.s32 $0xFFFFE003, lr  }
0x1b: {  	s9 =	sadd.s32 $0xFFFFFEF7, lr;
	s5 =	simm.s32 $0xFFFFFFFF;
	p2 =	slt.u32 s8, $0xFFFFF086  }
0x1c: {  	p1 =	slt.u32 s9, $0xF7A;
	s5 =	simm.s32 @!p2 $0x0  }
0x1d: {  	s5 =	simm.s32 @p1 $0x1;
	p0 =	seq.s32 s7, s2  }
0x1e: {  	s7 =	smul.u32 @!p0 $0xF7A, s2;
	p2 =	seq.s32 @!p0 s5, $0x0  }
0x1f: {  	s9 =	smul.u32 $0xF7A, s1;
	s8 =	simm.s32 @!p0 $0x1BF5;
	p2 =	por !p2, p0  }
0x20: {  	[sflag:s8] =	ssyncset.s32 @!p0 $0xFFFFF086;
	s6 =	sadd.s32 @!p0 s3, s7;
	s7 =	simm.s32 @!p0 $0x108  }
0x21: {  	s3 =	sadd.s32 s3, s9;
	s6 =	sadd.s32 @!p0 $0x88, s6;
	s7 =	simm.s32 @p2 $0x1082  }
0x22: {  	[simem:s7], [sflag:s8] =	dma.local @!p0 [hbm:s6], $0xF7A  }
0x23: {  	s9 =	sor.u32 $0xD0000000, s2;
	s6 =	simm.s32 $0x108;
	_ =	swait.ge @!p0 [sflag:s8], $0x0  }
0x24: {  	s3 =	sadd.s32 $0x88, s3;
	s6 =	simm.s32 @!p1 $0x1082;
	[sflag:s4] =	ssyncset.s32 $0xFFFFF086  }
0x25: {  	[simem:s6], [sflag:s4] =	dma.local [hbm:s3], $0xF7A  }
0x26: {  	[smem:$0x3F96] =	sst s1;
	(tag) =	ssettag s2;
	_ =	strace s9  }
0x27: {  	s1 =	sld [smem:$0x3FA6]  }
0x28: {  	s2 =	sld [smem:$0x3FA7]  }
0x29: {  	s4 =	sld [smem:$0x3FA9]  }
0x2a: {  	p0 =	seq.s32 s5, $0x0;
	s5 =	sld [smem:$0x3FAA]  }
0x2b: {  	s6 =	sld [smem:$0x3FAB]  }
0x2c: {  	s7 =	sld [smem:$0x3FAC]  }
0x2d: {  	s3 =	simm.s32 $0x108;
	s8 =	sld [smem:$0x3FAD]  }
0x2e: {  	s3 =	simm.s32 @!p0 $0x1082;
	s9 =	sld [smem:$0x3FAE]  }
0x2f: {  	lr =	sadd.s32 s0, s3;
	s0 =	sld [smem:$0x3FA5]  }
0x30: {  	s3 =	sld [smem:$0x3FA8]  }
0x31: {  	[smem:$0x3FB1] =	sst s10  }
0x32: {  	s10 =	sld [smem:$0x3FAF];
	_ =	sdelay $0x3  }
0x33: {  	p0 =	seq.s32 s10, $0x1;
	s10 =	sld [smem:$0x3FB1];
	_ =	sdelay $0x3  }
0x34: {  	[smem:$0x3FB1] =	sst s10  }
0x35: {  	s10 =	sld [smem:$0x3FB0];
	_ =	sdelay $0x3  }
0x36: {  	p1 =	seq.s32 s10, $0x1;
	s10 =	sld [smem:$0x3FB1];
	_ =	sdelay $0x3  }
0x37: {  	[smem:$0x3FB1] =	sst s10  }
0x38: {  	s10 =	sld [smem:$0x3FB2]  }
0x39: {  	_ = 	snop;
	(pc) =	sbr.ind lr, $3  }
0x3a: {  	_ = 	snop  }
0x3b: {  	_ = 	snop  }
0x3c: {  	p2 =	seq.s32 s10, $0x1;
	s10 =	sld [smem:$0x3FB1]  }
0x3d: {  	_ =	shalt  }
0x3e: {  	_ =	shalt  }
0x3f: {  	_ =	shalt  }
0x40: {  	_ =	shalt  }
0x41: {  	_ =	shalt  }
0x42: {  	_ =	shalt  }
0x43: {  	_ =	shalt  }
0x44: {  	_ =	shalt  }
0x45: {  	_ =	shalt  }
0x46: {  	_ =	shalt  }
0x47: {  	_ =	shalt  }
0x48: {  	_ =	shalt  }
0x49: {  	_ =	shalt  }
0x4a: {  	_ =	shalt  }
0x4b: {  	_ =	shalt  }
0x4c: {  	_ =	shalt  }
0x4d: {  	_ =	shalt  }
0x4e: {  	_ =	shalt  }
0x4f: {  	_ =	shalt  }
0x50: {  	_ =	shalt  }
0x51: {  	_ =	shalt  }
0x52: {  	_ =	shalt  }
0x53: {  	_ =	shalt  }
0x54: {  	_ =	shalt  }
0x55: {  	_ =	shalt  }
0x56: {  	_ =	shalt  }
0x57: {  	_ =	shalt  }
0x58: {  	_ =	shalt  }
0x59: {  	_ =	shalt  }
0x5a: {  	_ =	shalt  }
0x5b: {  	_ =	shalt  }
0x5c: {  	_ =	shalt  }
0x5d: {  	_ =	shalt  }
0x5e: {  	_ =	shalt  }
0x5f: {  	_ =	shalt  }
0x60: {  	_ =	shalt  }
0x61: {  	_ =	shalt  }
0x62: {  	_ =	shalt  }
0x63: {  	_ =	shalt  }
0x64: {  	_ =	shalt  }
0x65: {  	_ =	shalt  }
0x66: {  	_ =	shalt  }
0x67: {  	_ =	shalt  }
0x68: {  	_ =	shalt  }
0x69: {  	_ =	shalt  }
0x6a: {  	_ =	shalt  }
0x6b: {  	_ =	shalt  }
0x6c: {  	_ =	shalt  }
0x6d: {  	_ =	shalt  }
0x6e: {  	_ =	shalt  }
0x6f: {  	_ =	shalt  }
0x70: {  	_ =	shalt  }
0x71: {  	_ =	shalt  }
0x72: {  	_ =	shalt  }
0x73: {  	_ =	shalt  }
0x74: {  	_ =	shalt  }
0x75: {  	_ =	shalt  }
0x76: {  	_ =	shalt  }
0x77: {  	_ =	shalt  }
0x78: {  	_ =	shalt  }
0x79: {  	_ =	shalt  }
0x7a: {  	_ =	shalt  }
0x7b: {  	_ =	shalt  }
0x7c: {  	_ =	shalt  }
0x7d: {  	_ =	shalt  }
0x7e: {  	_ =	shalt  }
0x7f: {  	_ =	shalt  }
0x80: {  	_ =	shalt  }
0x81: {  	_ =	shalt  }
0x82: {  	_ =	shalt  }
0x83: {  	_ =	shalt  }
0x84: {  	_ =	shalt  }
0x85: {  	_ =	shalt  }
0x86: {  	_ =	shalt  }
0x87: {  	_ =	shalt  }
.Lfunc_end0:
.L_simem_size_0:
called_computation_lowered:
.L_overlay_start_0:
0x88: {  	s2 =	sld [smem:$0x3FD9]  }
0x89: {  	s3 =	sld [smem:$0x3FFE];
	_ =	sdelay $0x1  }
0x8a: {  	s1 =	srdreg.scid  }
0x8b: {  	s0 =	sand.u32 $0x1, s1  }
0x8c: {  	s14 =	sshll.u32 s0, $0xA;
	s2 =	sadd.s32 s3, s2  }
0x8d: {  	s2 =	sadd.s32 s2, s14  }
0x8e: {  	[smem:$0x3FBD] =	sst s2  }
0x8f: {  	_ = 	snop  }
0x90: {  	s2 =	sld [smem:$0x3FD0];
	_ =	sdelay $0x2  }
0x91: {  	s15 =	simm.s32 $0xA;
	s4 =	simm.s32 $0x10  }
0x92: {  	[smem:s4], [sflag:s15] =	dma.local [hbm:s2], $0x1  }
0x93: {  	_ =	swait.eq [sflag:s15], $0x1  }
0x94: {  	[sflag:s15] =	ssyncset.done $0x0  }
0x95: {  	[sflag:s15] =	ssyncadd.s32 $0xFFFFFFFF  }
0x96: {  	s16 =	sld [smem:$0x11];
	(tm) =	ssettm $0x1  }
0x97: {  	s17 =	sld [smem:$0x3FFB];
	_ =	sdelay $0x3  }
0x98: {  	_ =	strace s17  }
0x99: {  	s3 =	sld [smem:$0x3FFC];
	_ =	sdelay $0x3  }
0x9a: {  	_ =	strace s3  }
0x9b: {  	s3 =	sld [smem:$0x3FFD];
	_ =	sdelay $0x3  }
0x9c: {  	_ =	strace s3  }
0x9d: {  	_ =	strace $0x8FFFFFFF  }
0x9e: {  	s18 =	sld [smem:$0x3FDB];
	_ =	sdelay $0x1  }
0x9f: {  	s19 =	simm.s32 $_scs_section_size  }
0xa0: {  	s5 =	simm.s32 $_size__tile_overlayer_lowered;
	s6 =	simm.s32 $_tile_overlayer_lowered  }
0xa1: {  	s22 =	simm.s32 $0x1BFF;
	s21 =	sshll.u32 s6, $0x1;
	s3 =	sadd.s32 s19, s18  }
0xa2: {  	s7 =	simm.s32 $0x0;
	s20 =	sshll.u32 s5, $0x1;
	s5 =	sadd.s32 s21, s3  }
0xa3: {  	[timem:s7], [sflag:s22] =	dma.local [hbm:s5], s20  }
0xa4: {  	_ =	swait.ge [sflag:s22], s20  }
0xa5: {  	s4 =	ssub.s32 $0x0, s20;
	[sflag:s22] =	ssyncset.done $0x0  }
0xa6: {  	[sflag:s22] =	ssyncadd.s32 s4;
	_ =	sdelay $0x1  }
0xa7: {  	s23 =	simm.s32 $0x1B8B  }
0xa8: {  	_ =	swait.ge [sflag:s23], $0x1  }
0xa9: {  	[sflag:s23] =	ssyncset.done $0x0  }
0xaa: {  	s25 =	simm.s32 $0x1B8E;
	s24 =	sld [smem:$0x3FFE];
	[sflag:s23] =	ssyncadd.s32 $0xFFFFFFFF  }
0xab: {  	s26 =	simm.s32 $execute0_lowered;
	[smem:$0x3FD2] =	sst s25  }
0xac: {  	s5 =	sshll.u32 s26, $0x1;
	_ =	strace $0x80000046;
	[dreg:$0x1] =	wrdreg $0xFFFFFFFF  }
0xad: {  	s28 =	simm.s32 $_size_execute0_lowered;
	s3 =	sadd.s32 s3, s5;
	[dreg:$0x0] =	wrdreg $0x0  }
0xae: {  	s5 =	sshll.u32 s28, $0x1;
	[dreg:$0x2] =	wrdreg s3  }
0xaf: {  	[dreg:$0x3] =	wrdreg s5  }
0xb0: {  	[dreg:$0x4] =	wrdreg $0xC0  }
0xb1: {  	_ =	task [dreg:s7], $0x5FFFF  }
0xb2: {  	[dreg:$0x1] =	wrdreg $0xFFFFFFFF  }
0xb3: {  	[dreg:$0x0] =	wrdreg $0x60  }
0xb4: {  	[dreg:$0x2] =	wrdreg s24  }
0xb5: {  	[dreg:$0x3] =	wrdreg s16  }
0xb6: {  	[dreg:$0x4] =	wrdreg $0x2D780  }
0xb7: {  	[dreg:$0x5] =	wrdreg $0x165F80  }
0xb8: {  	[dreg:$0x6] =	wrdreg $0x168700  }
0xb9: {  	[dreg:$0x7] =	wrdreg $0x16AE80  }
0xba: {  	[dreg:$0x8] =	wrdreg $0x16D600  }
0xbb: {  	[dreg:$0x9] =	wrdreg $0x9  }
0xbc: {  	_ =	task.clear_ibuf [dreg:s7], $0xAFFFF;
	_ =	strace $0x90000046  }
0xbd: {  	s29 =	simm.s32 $0x9;
	_ =	strace $0x80000048  }
0xbe: {  	_ =	swait.ge [sflag:s29], $0x1  }
0xbf: {  	[sflag:s29] =	ssyncadd.s32 $0xFFFFFFFF  }
0xc0: {  	_ =	strace $0x90000048  }
0xc1: {  	_ =	sfence  }
0xc2: {  	s30 =	sld [smem:$0x0];
	_ =	sdelay $0x2  }
0xc3: {  	s31 =	sshll.u32 s1, $0xD;
	s1 =	sshrl.u32 s1, $0x2  }
0xc4: {  	s3 =	sand.u32 $0x4000, s31;
	s1 =	sadd.s32 s1, s30  }
0xc5: {  	s0 =	sor.u32 s3, s0;
	s1 =	sshll.u32 s1, $0x11  }
0xc6: {  	s0 =	sor.u32 s1, s0  }
0xc7: {  	s0 =	sadd.s32 $0x8F2B, s0  }
0xc8: {  	[sflag:s0] =	ssyncadd.remote.s32 $0x1  }
0xc9: {  	_ =	sfence.sel $0xFFFF  }
0xca: {  	[dreg:$0x0] =	wrdreg $0xFFFFFFFF;
	(pc) =	sbr.abs _section_cstart, $3  }
0xcb: {  	[dreg:$0x1] =	wrdreg $0xFFFFFFFF  }
0xcc: {  	_ =	task.clear_ibuf [dreg:s7], $0x2FFFF;
	_ =	strace $0x9FFFFFFF  }
0xcd: {  	(tm) =	ssettm $0x7FFFFFFF  }
tec
execute0_lowered:
.L_overlay_start_1:
0x0: {  	(tag) =	ssettag $0x1  }
0x1: {  	s0 =	rddreg [dreg:$0x0]  }
0x2: {  	s4 =	rddreg [dreg:$0x1]  }
0x3: {  	s1 =	rddreg [dreg:$0x2]  }
0x4: {  	s2 =	rddreg [dreg:$0x3]  }
0x5: {  	s3 =	rddreg [dreg:$0x4]  }
0x6: {  	s20 =	stileid.u32;
	s6 =	srdreg.scid  }
0x7: {  	s5 =	rddreg [dreg:$0x5];
	s7 =	simm.s32 $0x0;
	s8 =	smul.u32 $0x4E200, s20  }
0x8: {  	s28 =	simm.s32 $0x50;
	s29 =	simm.s32 $0x2850;
	s11 =	smul.u32 $0x4E20, s20  }
0x9: {  	s30 =	simm.s32 $0x28A0;
	s31 =	simm.s32 $0x28F0;
	s12 =	smul.u32 $0x13880, s20  }
0xa: {  	s9 =	sand.u32 $0x1, s6;
	s6 =	rddreg [dreg:$0x6];
	s13 =	smul.u32 $0x271, s20  }
0xb: {  	[smem:$0x7FF] =	sst s7;
	s15 =	smul.u32 $0x3E8, s20;
	p0 =	sgt.u32 s20, $0x9  }
0xc: {  	s10 =	smul.u32 $0x2710, s9;
	_ =	strace $0x80000047;
	s16 =	ssub.s32 $0x2, s9  }
0xd: {  	s9 =	smul.u32 $0x27100, s9;
	s14 =	sshrl.u32 s12, $0x3;
	s8 =	sadd.s32 s8, s0  }
0xe: {  	s26 =	sshrl.u32 s16, $0x1;
	s12 =	sadd.s32 s12, s1;
	s23 =	sadd.s32 s15, s3  }
0xf: {  	s11 =	sadd.s32 s10, s11;
	s14 =	sadd.s32 s14, s0;
	s13 =	sadd.s32 s13, s10  }
0x10: {  	s10 =	sadd.s32 s15, s10;
	s16 =	ssub.s32 s16, s26;
	[dreg:$0x8] =	wrdreg s12  }
0x11: {  	s12 =	sadd.s32 s15, s5;
	s8 =	sadd.s32 s9, s8;
	s9 =	simm.s32 $0x4  }
0x12: {  	s11 =	sshrl.u32 s11, $0x3;
	s13 =	sshll.u32 s13, $0x4;
	s17 =	sshrl.u32 s10, $0x3  }
0x13: {  	s24 =	sadd.s32 $0x2244600, s8;
	s26 =	smax.u32 s16, $0x1;
	s8 =	simm.s32 $0x3  }
0x14: {  	s16 =	simm.s32 $0x0;
	s11 =	sadd.s32 s11, s0;
	s18 =	sadd.s32 s13, s0  }
0x15: {  	s0 =	sadd.s32 s17, s0;
	s13 =	sadd.s32 $0xDA00, s14;
	[dreg:$0x10] =	wrdreg s24  }
0x16: {  	s14 =	sshll.u32 s20, $0x6;
	s25 =	sadd.s32 s4, s17;
	[dreg:$0x12] =	wrdreg s26  }
0x17: {  	s20 =	smov.u32 s12;
	s26 =	simm.s32 $0x5;
	[dreg:$0x9] =	wrdreg s13  }
0x18: {  	s4 =	simm.s32 $0x1;
	s10 =	sor.u32 $0x1C05, s14;
	[dreg:$0x11] =	wrdreg s25  }
0x19: {  	s13 =	sadd.s32 s15, s2;
	s19 =	sadd.s32 $0x36000, s18;
	[dreg:$0xa] =	wrdreg s20  }
0x1a: {  	s14 =	sadd.s32 s15, s6;
	s21 =	sadd.s32 $0x2A00, s0;
	[dreg:$0xc] =	wrdreg s19  }
0x1b: {  	s22 =	sadd.s32 $0x34C00, s0;
	s0 =	sadd.s32 $0x35600, s0;
	[dreg:$0xd] =	wrdreg s21  }
0x1c: {  	s24 =	sadd.s32 $0x50C200, s11;
	s25 =	sadd.s32 $0x3C00, s11;
	[dreg:$0xe] =	wrdreg s22  }
0x1d: {  	s15 =	simm.s32 $0x2940;
	[dreg:$0xf] =	wrdreg s0;
	s21 =	sadd.s32 $0x4F8600, s11  }
0x1e: {  	v0 =	vimm.f32 $0.0e+00;
	v1 =	vimm.f32 $1.000000000e+00;
	s22 =	sadd.s32 $0x502400, s11;
	s0 =	simm.s32 $0x2;
	[dreg:$0xb] =	wrdreg s14  }
.LBB2_1:
0x1f: {  	s11 =	rddreg [dreg:$0x8]  }
0x20: {  	s19 =	rddreg [dreg:$0x9];
	s17 =	sshrl.u32 s11, $0x3  }
0x21: {  	[spmem:s17], [sflag:s10] =	dma.local [hbm:s19], $0x2710  }
0x22: {  	_ =	swait.ge [sflag:s26], $0x2710  }
0x23: {  	[sflag:s26] =	ssyncset.done $0x0  }
0x24: {  	[sflag:s26] =	ssyncadd.s32 $0xFFFFD8F0  }
0x25: {  	[tilespmem:$0x2990] =	vst v0  }
0x26: {  	[tilespmem:$0x29A0] =	vst v0  }
0x27: {  	[tilespmem:$0x29B0] =	vst v0  }
0x28: {  	[tilespmem:$0x29C0] =	vst v0  }
0x29: {  	[tilespmem:$0x29D0] =	vst v0  }
0x2a: {  	[tilespmem:$0x29E0] =	vst v0  }
0x2b: {  	[tilespmem:$0x29F0] =	vst v0  }
0x2c: {  	[tilespmem:$0x2A00] =	vst v0  }
0x2d: {  	[tilespmem:$0x2A10] =	vst v0  }
0x2e: {  	[tilespmem:$0x2A20] =	vst v0  }
0x2f: {  	[tilespmem:$0x2A30] =	vst v0  }
0x30: {  	[tilespmem:$0x2A40] =	vst v0  }
0x31: {  	[tilespmem:$0x2A50] =	vst v0  }
0x32: {  	[tilespmem:$0x2A60] =	vst v0  }
0x33: {  	[tilespmem:$0x2A70] =	vst v0  }
0x34: {  	[tilespmem:$0x2A80] =	vst v0  }
0x35: {  	[tilespmem:$0x2A90] =	vst v0  }
0x36: {  	[tilespmem:$0x2AA0] =	vst v0  }
0x37: {  	[tilespmem:$0x2AB0] =	vst v0  }
0x38: {  	[tilespmem:$0x2AC0] =	vst v0  }
0x39: {  	[tilespmem:$0x2AD0] =	vst v0  }
0x3a: {  	[tilespmem:$0x2AE0] =	vst v0  }
0x3b: {  	[tilespmem:$0x2AF0] =	vst v0  }
0x3c: {  	[tilespmem:$0x2B00] =	vst v0  }
0x3d: {  	[tilespmem:$0x2B10] =	vst v0  }
0x3e: {  	[tilespmem:$0x2B20] =	vst v0  }
0x3f: {  	[tilespmem:$0x2B30] =	vst v0  }
0x40: {  	[tilespmem:$0x2B40] =	vst v0  }
0x41: {  	[tilespmem:$0x2B50] =	vst v0  }
0x42: {  	[tilespmem:$0x2B60] =	vst v0  }
0x43: {  	[tilespmem:$0x2B70] =	vst v0  }
0x44: {  	[tilespmem:$0x2B80] =	vst v0  }
0x45: {  	[tilespmem:$0x2B90] =	vst v0  }
0x46: {  	[tilespmem:$0x2BA0] =	vst v0  }
0x47: {  	[tilespmem:$0x2BB0] =	vst v0  }
0x48: {  	[tilespmem:$0x2BC0] =	vst v0  }
0x49: {  	[tilespmem:$0x2BD0] =	vst v0  }
0x4a: {  	[tilespmem:$0x2BE0] =	vst v0  }
0x4b: {  	[tilespmem:$0x2BF0] =	vst v0  }
0x4c: {  	[tilespmem:$0x2C00] =	vst v0  }
0x4d: {  	[tilespmem:$0x2C10] =	vst v0  }
0x4e: {  	[tilespmem:$0x2C20] =	vst v0  }
0x4f: {  	[tilespmem:$0x2C30] =	vst v0  }
0x50: {  	[tilespmem:$0x2C40] =	vst v0  }
0x51: {  	[tilespmem:$0x2C50] =	vst v0  }
0x52: {  	[tilespmem:$0x2C60] =	vst v0  }
0x53: {  	[tilespmem:$0x2C70] =	vst v0  }
0x54: {  	[tilespmem:$0x2C80] =	vst v0  }
0x55: {  	[tilespmem:$0x2C90] =	vst v0  }
0x56: {  	[tilespmem:$0x2CA0] =	vst v0  }
0x57: {  	[tilespmem:$0x2CB0] =	vst v0  }
0x58: {  	[tilespmem:$0x2CC0] =	vst v0  }
0x59: {  	[tilespmem:$0x2CD0] =	vst v0  }
0x5a: {  	[tilespmem:$0x2CE0] =	vst v0  }
0x5b: {  	[tilespmem:$0x2CF0] =	vst v0  }
0x5c: {  	[tilespmem:$0x2D00] =	vst v0  }
0x5d: {  	[tilespmem:$0x2D10] =	vst v0  }
0x5e: {  	[tilespmem:$0x2D20] =	vst v0  }
0x5f: {  	[tilespmem:$0x2D30] =	vst v0  }
0x60: {  	[tilespmem:$0x2D40] =	vst v0  }
0x61: {  	[tilespmem:$0x2D50] =	vst v0  }
0x62: {  	[tilespmem:$0x2D60] =	vst v0  }
0x63: {  	[tilespmem:$0x2940] =	vst v1  }
0x64: {  	[tilespmem:$0x2950] =	vst v1  }
0x65: {  	[tilespmem:$0x2960] =	vst v1  }
0x66: {  	[tilespmem:$0x2970] =	vst v1  }
0x67: {  	s18 =	simm.s32 @!p0 $0x5;
	s11 =	simm.s32 @!p0 $0x2990;
	[tilespmem:$0x2980] =	vst v1  }
0x68: {  	[spmem:s13] =	stream.linear.scatter @!p0 [tilespmem:s11], [sflag:$0x5], $0x3E8, $0x38;
	[tilespmem:$0x16FD8] =	vst v63  }
0x69: {  	_ =	swait.ge @!p0 [sflag:s18], $0x3E8  }
0x6a: {  	[sflag:s18] =	ssyncset.done @!p0 $0x0  }
0x6b: {  	[sflag:s18] =	ssyncadd.s32 @!p0 $0xFFFFFC18  }
0x6c: {  	[spmem:s23] =	stream.linear.scatter @!p0 [tilespmem:s11], [sflag:$0x5], $0x3E8, $0x38;
	[tilespmem:$0x16FD8] =	vst v63  }
0x6d: {  	_ =	swait.ge @!p0 [sflag:s18], $0x3E8  }
0x6e: {  	[sflag:s18] =	ssyncset.done @!p0 $0x0  }
0x6f: {  	[sflag:s18] =	ssyncadd.s32 @!p0 $0xFFFFFC18  }
0x70: {  	[spmem:s20] =	stream.linear.scatter @!p0 [tilespmem:s11], [sflag:$0x5], $0x3E8, $0x38;
	[tilespmem:$0x16FD8] =	vst v63  }
0x71: {  	_ =	swait.ge @!p0 [sflag:s18], $0x3E8  }
0x72: {  	[sflag:s18] =	ssyncset.done @!p0 $0x0  }
0x73: {  	s12 =	smov.u32 s14;
	[sflag:s18] =	ssyncadd.s32 @!p0 $0xFFFFFC18  }
0x74: {  	[spmem:s12] =	stream.linear.scatter @!p0 [tilespmem:s11], [sflag:$0x5], $0x3E8, $0x38;
	[tilespmem:$0x16FD8] =	vst v63  }
0x75: {  	_ =	swait.ge @!p0 [sflag:s18], $0x3E8  }
0x76: {  	[sflag:s18] =	ssyncset.done @!p0 $0x0  }
0x77: {  	[sflag:s18] =	ssyncadd.s32 @!p0 $0xFFFFFC18  }
0x78: {  	s12 =	sadd.s32 $0x0, s25;
	[bflag:$0x0] =	sbarrier.arrive $0xFFFF  }
0x79: {  	[tilespmem:s7], [sflag:$0x5] =	stream.linear.gather [hbm4b:s12+s7], $0x50, $0x38;
	[tilespmem:$0x16FD8] =	vst v63  }
0x7a: {  	_ =	swait.ge [sflag:s26], $0x50  }
0x7b: {  	[sflag:s26] =	ssyncset.done $0x0  }
0x7c: {  	s14 =	smov.u32 s13;
	s13 =	rddreg [dreg:$0x10];
	[sflag:s26] =	ssyncadd.s32 $0xFFFFFFB0  }
0x7d: {  	[tilespmem:s28], [sflag:$0x1] =	stream.linear.gather [hbm4b:s13+s7], $0x2800, $0x38;
	[tilespmem:$0x16FD8] =	vst v63  }
0x7e: {  	s18 =	sadd.s32 $0x0, s24  }
0x7f: {  	[tilespmem:s29], [sflag:$0x2] =	stream.linear.gather [hbm4b:s18+s7], $0x50, $0x38;
	[tilespmem:$0x16FD8] =	vst v63  }
0x80: {  	s20 =	sadd.s32 $0x0, s22  }
0x81: {  	[tilespmem:s30], [sflag:$0x3] =	stream.linear.gather [hbm4b:s20+s7], $0x50, $0x38;
	[tilespmem:$0x16FD8] =	vst v63  }
0x82: {  	s19 =	smov.u32 s23;
	s23 =	sadd.s32 $0x0, s21  }
0x83: {  	[tilespmem:s31], [sflag:$0x4] =	stream.linear.gather [hbm4b:s23+s7], $0x50, $0x38;
	[tilespmem:$0x16FD8] =	vst v63  }
0x84: {  	_ =	swait.ge [sflag:s4], $0x2800  }
0x85: {  	[sflag:s4] =	ssyncset.done $0x0  }
0x86: {  	[sflag:s4] =	ssyncadd.s32 $0xFFFFD800  }
0x87: {  	_ =	swait.ge [sflag:s0], $0x50  }
0x88: {  	[sflag:s0] =	ssyncset.done $0x0  }
0x89: {  	[sflag:s0] =	ssyncadd.s32 $0xFFFFFFB0  }
0x8a: {  	_ =	swait.ge [sflag:s8], $0x50  }
0x8b: {  	[sflag:s8] =	ssyncset.done $0x0  }
0x8c: {  	[sflag:s8] =	ssyncadd.s32 $0xFFFFFFB0  }
0x8d: {  	_ =	swait.ge [sflag:s9], $0x50  }
0x8e: {  	[sflag:s9] =	ssyncset.done $0x0  }
0x8f: {  	[sflag:s9] =	ssyncadd.s32 $0xFFFFFFB0  }
0x90: {  	[spmem:s1] =	stream.indirect.scatter.add.f32 [tilespmem:s28], [sflag:$0x5], $0x80, s7, s28, $0xb8;
	[tilespmem:$0x16FD8] =	vst v63  }
0x91: {  	_ =	swait.ge [sflag:s26], $0x2800  }
0x92: {  	[sflag:s26] =	ssyncset.done $0x0  }
0x93: {  	[sflag:s26] =	ssyncadd.s32 $0xFFFFD800  }
0x94: {  	[spmem:s2] =	stream.indirect.scatter.add.f32 [tilespmem:s29], [sflag:$0x5], $0x1, s7, s28, $0xb8;
	[tilespmem:$0x16FD8] =	vst v63  }
0x95: {  	_ =	swait.ge [sflag:s26], $0x50  }
0x96: {  	[sflag:s26] =	ssyncset.done $0x0  }
0x97: {  	[sflag:s26] =	ssyncadd.s32 $0xFFFFFFB0  }
0x98: {  	[spmem:s3] =	stream.indirect.scatter.add.f32 [tilespmem:s30], [sflag:$0x5], $0x1, s7, s28, $0xb8;
	[tilespmem:$0x16FD8] =	vst v63  }
0x99: {  	_ =	swait.ge [sflag:s26], $0x50  }
0x9a: {  	[sflag:s26] =	ssyncset.done $0x0  }
0x9b: {  	[sflag:s26] =	ssyncadd.s32 $0xFFFFFFB0  }
0x9c: {  	[spmem:s5] =	stream.indirect.scatter.add.f32 [tilespmem:s31], [sflag:$0x5], $0x1, s7, s28, $0xb8;
	[tilespmem:$0x16FD8] =	vst v63  }
0x9d: {  	_ =	swait.ge [sflag:s26], $0x50  }
0x9e: {  	[sflag:s26] =	ssyncset.done $0x0  }
0x9f: {  	[sflag:s26] =	ssyncadd.s32 $0xFFFFFFB0  }
0xa0: {  	[spmem:s6] =	stream.indirect.scatter.add.f32 [tilespmem:s15], [sflag:$0x5], $0x1, s7, s28, $0xb8;
	[tilespmem:$0x16FD8] =	vst v63  }
0xa1: {  	s18 =	simm.s32 $0xA;
	_ =	swait.ge [sflag:s26], $0x50  }
0xa2: {  	s20 =	sadd.s32 $0x500, s13;
	s23 =	simm.s32 $0x14;
	[sflag:s26] =	ssyncset.done $0x0  }
.LBB2_2:
0xa3: {  	s12 =	sadd.s32 s18, s25  }
0xa4: {  	[sflag:s26] =	ssyncadd.s32 $0xFFFFFFB0;
	s13 =	smov.u32 s23;
	s11 =	sadd.s32 $0xA, s23  }
0xa5: {  	[tilespmem:s7], [sflag:$0x5] =	stream.linear.gather [hbm4b:s12+s7], $0x50, $0x38;
	[tilespmem:$0x16FD8] =	vst v63  }
0xa6: {  	p1 =	sne.s32 s23, $0x4D8;
	_ =	swait.ge [sflag:s26], $0x50  }
0xa7: {  	[sflag:s26] =	ssyncset.done $0x0  }
0xa8: {  	[sflag:s26] =	ssyncadd.s32 $0xFFFFFFB0  }
0xa9: {  	[tilespmem:s28], [sflag:$0x1] =	stream.linear.gather [hbm4b:s20+s7], $0x2800, $0x38;
	[tilespmem:$0x16FD8] =	vst v63  }
0xaa: {  	s12 =	sadd.s32 s18, s24  }
0xab: {  	[tilespmem:s29], [sflag:$0x2] =	stream.linear.gather [hbm4b:s12+s7], $0x50, $0x38;
	[tilespmem:$0x16FD8] =	vst v63  }
0xac: {  	s12 =	sadd.s32 s18, s22  }
0xad: {  	[tilespmem:s30], [sflag:$0x3] =	stream.linear.gather [hbm4b:s12+s7], $0x50, $0x38;
	[tilespmem:$0x16FD8] =	vst v63  }
0xae: {  	s12 =	sadd.s32 s18, s21;
	s18 =	smov.u32 s13  }
0xaf: {  	[tilespmem:s31], [sflag:$0x4] =	stream.linear.gather [hbm4b:s12+s7], $0x50, $0x38;
	[tilespmem:$0x16FD8] =	vst v63  }
0xb0: {  	_ =	swait.ge [sflag:s4], $0x2800  }
0xb1: {  	[sflag:s4] =	ssyncset.done $0x0  }
0xb2: {  	[sflag:s4] =	ssyncadd.s32 $0xFFFFD800  }
0xb3: {  	_ =	swait.ge [sflag:s0], $0x50  }
0xb4: {  	[sflag:s0] =	ssyncset.done $0x0  }
0xb5: {  	[sflag:s0] =	ssyncadd.s32 $0xFFFFFFB0  }
0xb6: {  	_ =	swait.ge [sflag:s8], $0x50  }
0xb7: {  	[sflag:s8] =	ssyncset.done $0x0  }
0xb8: {  	[sflag:s8] =	ssyncadd.s32 $0xFFFFFFB0  }
0xb9: {  	_ =	swait.ge [sflag:s9], $0x50  }
0xba: {  	[sflag:s9] =	ssyncset.done $0x0  }
0xbb: {  	[sflag:s9] =	ssyncadd.s32 $0xFFFFFFB0  }
0xbc: {  	[spmem:s1] =	stream.indirect.scatter.add.f32 [tilespmem:s28], [sflag:$0x5], $0x80, s7, s28, $0xb8;
	[tilespmem:$0x16FD8] =	vst v63  }
0xbd: {  	_ =	swait.ge [sflag:s26], $0x2800  }
0xbe: {  	[sflag:s26] =	ssyncset.done $0x0  }
0xbf: {  	[sflag:s26] =	ssyncadd.s32 $0xFFFFD800  }
0xc0: {  	[spmem:s2] =	stream.indirect.scatter.add.f32 [tilespmem:s29], [sflag:$0x5], $0x1, s7, s28, $0xb8;
	[tilespmem:$0x16FD8] =	vst v63  }
0xc1: {  	_ =	swait.ge [sflag:s26], $0x50  }
0xc2: {  	[sflag:s26] =	ssyncset.done $0x0  }
0xc3: {  	[sflag:s26] =	ssyncadd.s32 $0xFFFFFFB0  }
0xc4: {  	[spmem:s3] =	stream.indirect.scatter.add.f32 [tilespmem:s30], [sflag:$0x5], $0x1, s7, s28, $0xb8;
	[tilespmem:$0x16FD8] =	vst v63  }
0xc5: {  	_ =	swait.ge [sflag:s26], $0x50  }
0xc6: {  	[sflag:s26] =	ssyncset.done $0x0  }
0xc7: {  	[sflag:s26] =	ssyncadd.s32 $0xFFFFFFB0  }
0xc8: {  	[spmem:s5] =	stream.indirect.scatter.add.f32 [tilespmem:s31], [sflag:$0x5], $0x1, s7, s28, $0xb8;
	[tilespmem:$0x16FD8] =	vst v63  }
0xc9: {  	_ =	swait.ge [sflag:s26], $0x50  }
.Ltmp0:
0xca: {  	[sflag:s26] =	ssyncset.done $0x0;
	(pc) =	sbr.rel @p1 .LBB2_2-.Ltmp0, $4  }
0xcb: {  	[sflag:s26] =	ssyncadd.s32 $0xFFFFFFB0  }
0xcc: {  	[spmem:s6] =	stream.indirect.scatter.add.f32 [tilespmem:s15], [sflag:$0x5], $0x1, s7, s28, $0xb8;
	[tilespmem:$0x16FD8] =	vst v63  }
0xcd: {  	_ =	swait.ge [sflag:s26], $0x50  }
0xce: {  	s23 =	smov.u32 s11;
	s20 =	sadd.s32 $0x500, s20;
	[sflag:s26] =	ssyncset.done $0x0  }
0xcf: {  	s11 =	sadd.s32 s18, s25;
	[sflag:s26] =	ssyncadd.s32 $0xFFFFFFB0  }
0xd0: {  	[tilespmem:s7], [sflag:$0x5] =	stream.linear.gather [hbm4b:s11+s7], $0x50, $0x38;
	[tilespmem:$0x16FD8] =	vst v63  }
0xd1: {  	_ =	swait.ge [sflag:s26], $0x50  }
0xd2: {  	[sflag:s26] =	ssyncset.done $0x0  }
0xd3: {  	[sflag:s26] =	ssyncadd.s32 $0xFFFFFFB0  }
0xd4: {  	[tilespmem:s28], [sflag:$0x1] =	stream.linear.gather [hbm4b:s20+s7], $0x2800, $0x38;
	[tilespmem:$0x16FD8] =	vst v63  }
0xd5: {  	s23 =	sadd.s32 s18, s24  }
0xd6: {  	[tilespmem:s29], [sflag:$0x2] =	stream.linear.gather [hbm4b:s23+s7], $0x50, $0x38;
	[tilespmem:$0x16FD8] =	vst v63  }
0xd7: {  	s12 =	sadd.s32 s18, s22  }
0xd8: {  	[tilespmem:s30], [sflag:$0x3] =	stream.linear.gather [hbm4b:s12+s7], $0x50, $0x38;
	[tilespmem:$0x16FD8] =	vst v63  }
0xd9: {  	s13 =	sadd.s32 s18, s21  }
0xda: {  	[tilespmem:s31], [sflag:$0x4] =	stream.linear.gather [hbm4b:s13+s7], $0x50, $0x38;
	[tilespmem:$0x16FD8] =	vst v63  }
0xdb: {  	_ =	swait.ge [sflag:s4], $0x2800  }
0xdc: {  	[sflag:s4] =	ssyncset.done $0x0  }
0xdd: {  	[sflag:s4] =	ssyncadd.s32 $0xFFFFD800  }
0xde: {  	_ =	swait.ge [sflag:s0], $0x50  }
0xdf: {  	[sflag:s0] =	ssyncset.done $0x0  }
0xe0: {  	[sflag:s0] =	ssyncadd.s32 $0xFFFFFFB0  }
0xe1: {  	_ =	swait.ge [sflag:s8], $0x50  }
0xe2: {  	[sflag:s8] =	ssyncset.done $0x0  }
0xe3: {  	[sflag:s8] =	ssyncadd.s32 $0xFFFFFFB0  }
0xe4: {  	_ =	swait.ge [sflag:s9], $0x50  }
0xe5: {  	[sflag:s9] =	ssyncset.done $0x0  }
0xe6: {  	[sflag:s9] =	ssyncadd.s32 $0xFFFFFFB0  }
0xe7: {  	[spmem:s1] =	stream.indirect.scatter.add.f32 [tilespmem:s28], [sflag:$0x5], $0x80, s7, s28, $0xb8;
	[tilespmem:$0x16FD8] =	vst v63  }
0xe8: {  	_ =	swait.ge [sflag:s26], $0x2800  }
0xe9: {  	[sflag:s26] =	ssyncset.done $0x0  }
0xea: {  	[sflag:s26] =	ssyncadd.s32 $0xFFFFD800  }
0xeb: {  	[spmem:s2] =	stream.indirect.scatter.add.f32 [tilespmem:s29], [sflag:$0x5], $0x1, s7, s28, $0xb8;
	[tilespmem:$0x16FD8] =	vst v63  }
0xec: {  	_ =	swait.ge [sflag:s26], $0x50  }
0xed: {  	[sflag:s26] =	ssyncset.done $0x0  }
0xee: {  	[sflag:s26] =	ssyncadd.s32 $0xFFFFFFB0  }
0xef: {  	[spmem:s3] =	stream.indirect.scatter.add.f32 [tilespmem:s30], [sflag:$0x5], $0x1, s7, s28, $0xb8;
	[tilespmem:$0x16FD8] =	vst v63  }
0xf0: {  	_ =	swait.ge [sflag:s26], $0x50  }
0xf1: {  	[sflag:s26] =	ssyncset.done $0x0  }
0xf2: {  	[sflag:s26] =	ssyncadd.s32 $0xFFFFFFB0  }
0xf3: {  	[spmem:s5] =	stream.indirect.scatter.add.f32 [tilespmem:s31], [sflag:$0x5], $0x1, s7, s28, $0xb8;
	[tilespmem:$0x16FD8] =	vst v63  }
0xf4: {  	_ =	swait.ge [sflag:s26], $0x50  }
0xf5: {  	[sflag:s26] =	ssyncset.done $0x0  }
0xf6: {  	[sflag:s26] =	ssyncadd.s32 $0xFFFFFFB0  }
0xf7: {  	[spmem:s6] =	stream.indirect.scatter.add.f32 [tilespmem:s15], [sflag:$0x5], $0x1, s7, s28, $0xb8;
	[tilespmem:$0x16FD8] =	vst v63  }
0xf8: {  	_ =	swait.ge [sflag:s26], $0x50  }
0xf9: {  	[sflag:s26] =	ssyncset.done $0x0  }
0xfa: {  	[sflag:s26] =	ssyncadd.s32 $0xFFFFFFB0  }
0xfb: {  	[bflag:$0x0] =	sbarrier.arrive $0xFFFF  }
0xfc: {  	s18 =	rddreg [dreg:$0xc]  }
0xfd: {  	[hbm:s18], [sflag:s10] =	dma.local [spmem:s17], $0x2710  }
0xfe: {  	_ =	swait.ge [sflag:s26], $0x2710  }
0xff: {  	[sflag:s26] =	ssyncset.done $0x0  }
0x100: {  	s11 =	sshrl.u32 @!p0 s14, $0x3;
	s12 =	rddreg [dreg:$0x11];
	[sflag:s26] =	ssyncadd.s32 $0xFFFFD8F0  }
0x101: {  	[hbm:s12], [sflag:s10] =	dma.local @!p0 [spmem:s11], $0x7D  }
0x102: {  	s11 =	simm.s32 @!p0 $0x5  }
0x103: {  	_ =	swait.ge @!p0 [sflag:s11], $0x7D  }
0x104: {  	s13 =	smov.u32 s14;
	[sflag:s11] =	ssyncset.done @!p0 $0x0  }
0x105: {  	s12 =	sshrl.u32 @!p0 s19, $0x3;
	s14 =	rddreg [dreg:$0xd];
	[sflag:s11] =	ssyncadd.s32 @!p0 $0xFFFFFF83  }
0x106: {  	[hbm:s14], [sflag:s10] =	dma.local @!p0 [spmem:s12], $0x7D  }
0x107: {  	_ =	swait.ge @!p0 [sflag:s11], $0x7D  }
0x108: {  	[sflag:s11] =	ssyncset.done @!p0 $0x0;
	s20 =	rddreg [dreg:$0xa]  }
0x109: {  	s14 =	rddreg [dreg:$0xe];
	[sflag:s11] =	ssyncadd.s32 @!p0 $0xFFFFFF83;
	s12 =	sshrl.u32 @!p0 s20, $0x3  }
0x10a: {  	[hbm:s14], [sflag:s10] =	dma.local @!p0 [spmem:s12], $0x7D  }
0x10b: {  	_ =	swait.ge @!p0 [sflag:s11], $0x7D  }
0x10c: {  	[sflag:s11] =	ssyncset.done @!p0 $0x0;
	s14 =	rddreg [dreg:$0xb]  }
0x10d: {  	s17 =	rddreg [dreg:$0xf];
	[sflag:s11] =	ssyncadd.s32 @!p0 $0xFFFFFF83;
	s12 =	sshrl.u32 @!p0 s14, $0x3  }
0x10e: {  	[hbm:s17], [sflag:s10] =	dma.local @!p0 [spmem:s12], $0x7D  }
0x10f: {  	_ =	swait.ge @!p0 [sflag:s11], $0x7D  }
0x110: {  	s16 =	sadd.s32 $0x1, s16;
	s23 =	smov.u32 s19;
	s19 =	rddreg [dreg:$0x12]  }
0x111: {  	p1 =	sne.s32 s16, s19  }
.Ltmp1:
0x112: {  	_ = 	snop;
	(pc) =	sbr.rel @p1 .LBB2_1-.Ltmp1, $3  }
0x113: {  	_ =	sdelay $0x1  }
0x114: {  	[sflag:s11] =	ssyncset.done @!p0 $0x0  }
0x115: {  	[sflag:s11] =	ssyncadd.s32 @!p0 $0xFFFFFF83  }
0x116: {  	_ =	sfence.sel $0x180000  }
0x117: {  	[bflag:$0x0] =	sbarrier.arrive $0xFFFF  }
0x118: {  	_ =	strace $0x90000047  }
0x119: {  	s0 =	stileid.u32;
	[bflag:$0x2] =	sbarrier.arrive $0xFFFF  }
0x11a: {  	p0 =	sne.s32 s0, $0x0;
	s0 =	rddreg [dreg:$0x7]  }
0x11b: {  	s0 =	sadd.s32 @!p0 $0x100000, s0  }
0x11c: {  	[sflag:s0] =	ssyncadd.tile.s32 @!p0 $0x1;
	_ =	shalt  }
.Lfunc_end2:
_tile_overlayer_lowered:
.L_overlay_start_2:
0x11d: {  	(tag) =	ssettag $0x2  }
0x11e: {  	s0 =	rddreg [dreg:$0x0];
	s2 =	stileid.u32  }
0x11f: {  	s1 =	rddreg [dreg:$0x1];
	p0 =	sne.s32 s2, $0x0  }
0x120: {  	s3 =	rddreg [dreg:$0x2];
	[bflag:$0x3] =	sbarrier.arrive $0xFFFF;
	s2 =	simm.s32 @!p0 $0x1C05  }
0x121: {  	[timem:s3], [sflag:s2] =	dma.local @!p0 [hbm:s0], s1  }
0x122: {  	s0 =	simm.s32 @!p0 $0x5  }
0x123: {  	_ =	swait.ge @!p0 [sflag:s0], s1  }
0x124: {  	s1 =	ssub.s32 @!p0 $0x0, s1;
	[sflag:s0] =	ssyncset.done @!p0 $0x0  }
0x125: {  	[sflag:s0] =	ssyncadd.s32 @!p0 s1  }
0x126: {  	[bflag:$0x3] =	sbarrier.arrive $0xFFFF  }
0x127: {  	_ =	shalt  }

</sc_bundles>
